<compile_context>
chip_gen: v7x
topology: tpu7x:2x2x1
jax: 0.10.2.dev20260603
libtpu: 0.0.44.dev20260713+nightly
codegen_flags: <defaults>
</compile_context>

<pallas_src>
import functools

import jax
import jax.numpy as jnp
from jax import lax
from jax.experimental import pallas as pl
from jax.experimental.pallas import tpu as pltpu
from jax.experimental.pallas import tpu_sc as plsc

N = 10000
E = 320000
D = 128
H = 64
G = 16
C = 6

NC = 2
NS = 16
NW = NC * NS
CHUNK = 128
K = 80
EPAD = NW * CHUNK * K
KA = 90
KB = 70
KS = 2 * KA
NACC = 10048
RPT = NACC // NS
DD = 16


def _sc_agg(dw):
  mesh = plsc.VectorSubcoreMesh(core_axis_name="c", subcore_axis_name="s")

  @functools.partial(
      pl.kernel,
      out_type=jax.ShapeDtypeStruct((NC, NACC, dw), jnp.float32),
      mesh=mesh,
      compiler_params=pltpu.CompilerParams(use_tc_tiling_on_sc=False),
      scratch_types=[
          pltpu.VMEM((KA, CHUNK), jnp.int32),
          pltpu.VMEM((KA, CHUNK), jnp.int32),
          pltpu.VMEM((CHUNK, dw), jnp.float32),
          pltpu.VMEM((CHUNK, dw), jnp.float32),
          pltpu.VMEM_SHARED((NACC, dw), jnp.float32),
          pltpu.VMEM_SHARED((N, dw), jnp.float32),
          pltpu.SemaphoreType.DMA,
      ],
  )
  def agg(y_hbm, src_hbm, dst_hbm, zeros_hbm, out_hbm,
          src_v, dst_v, rows_a, rows_b, acc_sh, y_sh, gsem):
    c = lax.axis_index("c")
    s = lax.axis_index("s")
    base = s * RPT
    pltpu.sync_copy(zeros_hbm, acc_sh.at[pl.ds(base, RPT)])
    pltpu.sync_copy(y_hbm.at[pl.ds(s * (N // NS), N // NS)],
                    y_sh.at[pl.ds(s * (N // NS), N // NS)])
    pltpu.sync_copy(src_hbm.at[s, pl.ds(c * KA, KA)], src_v)
    pltpu.sync_copy(dst_hbm.at[s, pl.ds(c * KA, KA)], dst_v)
    plsc.subcore_barrier()

    def step(jj, carry):
      j0 = 2 * jj
      j1 = 2 * jj + 1
      d0 = pltpu.async_copy(y_sh.at[src_v.at[j0]], rows_a, gsem)
      d1 = pltpu.async_copy(y_sh.at[src_v.at[j1]], rows_b, gsem)
      d0.wait()
      pltpu.sync_copy(rows_a, acc_sh.at[dst_v.at[j0]], add=True)
      d1.wait()
      pltpu.sync_copy(rows_b, acc_sh.at[dst_v.at[j1]], add=True)
      return carry

    npairs = jnp.where(c == 0, KA // 2, KB // 2)
    lax.fori_loop(0, npairs, step, 0)
    plsc.subcore_barrier()
    pltpu.sync_copy(acc_sh.at[pl.ds(base, RPT)],
                    out_hbm.at[c, pl.ds(base, RPT)])

  return agg


def _sc_deg():
  mesh = plsc.VectorSubcoreMesh(core_axis_name="c", subcore_axis_name="s")

  @functools.partial(
      pl.kernel,
      out_type=jax.ShapeDtypeStruct((NC, NACC, DD), jnp.float32),
      mesh=mesh,
      compiler_params=pltpu.CompilerParams(use_tc_tiling_on_sc=False),
      scratch_types=[
          pltpu.VMEM((KA, CHUNK), jnp.int32),
          pltpu.VMEM((CHUNK, DD), jnp.float32),
          pltpu.VMEM_SHARED((NACC, DD), jnp.float32),
      ],
  )
  def deg(dst_hbm, zeros_hbm, ones_hbm, out_hbm, dst_v, ones_v, acc_sh):
    c = lax.axis_index("c")
    s = lax.axis_index("s")
    base = s * RPT
    pltpu.sync_copy(zeros_hbm, acc_sh.at[pl.ds(base, RPT)])
    pltpu.sync_copy(ones_hbm, ones_v)
    pltpu.sync_copy(dst_hbm.at[s, pl.ds(c * KA, KA)], dst_v)
    plsc.subcore_barrier()

    def step(j, carry):
      pltpu.sync_copy(ones_v, acc_sh.at[dst_v.at[j]], add=True)
      return carry

    lax.fori_loop(0, jnp.where(c == 0, KA, KB), step, 0)
    plsc.subcore_barrier()
    pltpu.sync_copy(acc_sh.at[pl.ds(base, RPT)],
                    out_hbm.at[c, pl.ds(base, RPT)])

  return deg


def _bn_fold(Wl, Wr, bl, g, be, rm, rv):
  s = g * lax.rsqrt(rv + 1e-5)
  return Wl * s, Wr * s, (bl - rm) * s + be


def _k0_body(x_ref, Wl_ref, Wr_ref, bl_ref, g_ref, be_ref, rm_ref, rv_ref,
             y_ref, z_ref):
  Wls, Wrs, b = _bn_fold(Wl_ref[...], Wr_ref[...], bl_ref[...], g_ref[...],
                         be_ref[...], rm_ref[...], rv_ref[...])
  x = x_ref[...]
  y_ref[...] = jnp.dot(x, Wls, preferred_element_type=jnp.float32)
  z_ref[...] = jnp.dot(x, Wrs, preferred_element_type=jnp.float32) + b


def _unpack_acc(acc_ref):
  return acc_ref[0, :N, :] + acc_ref[1, :N, :]


def _k1_body(acc_ref, deg_ref, z_ref, Wl_ref, Wr_ref, bl_ref, g_ref, be_ref,
             rm_ref, rv_ref, y_ref, zo_ref, inv_ref):
  accsum = _unpack_acc(acc_ref)
  deg = deg_ref[0, :N, 0:1] + deg_ref[1, :N, 0:1]
  inv = 1.0 / jnp.maximum(deg, 1.0)
  h = jnp.maximum(accsum * inv + z_ref[...], 0.0)
  Wls, Wrs, b = _bn_fold(Wl_ref[...], Wr_ref[...], bl_ref[...], g_ref[...],
                         be_ref[...], rm_ref[...], rv_ref[...])
  y_ref[...] = jnp.dot(h, Wls, preferred_element_type=jnp.float32)
  zo_ref[...] = jnp.dot(h, Wrs, preferred_element_type=jnp.float32) + b
  inv_ref[...] = inv


def _k2_body(acc_ref, z_ref, inv_ref, Wl_ref, Wr_ref, bl_ref, g_ref, be_ref,
             rm_ref, rv_ref, y_ref, zo_ref):
  accsum = _unpack_acc(acc_ref)
  h = jnp.maximum(accsum * inv_ref[...] + z_ref[...], 0.0)
  Wls, Wrs, b = _bn_fold(Wl_ref[...], Wr_ref[...], bl_ref[...], g_ref[...],
                         be_ref[...], rm_ref[...], rv_ref[...])
  y_ref[...] = jnp.dot(h, Wls, preferred_element_type=jnp.float32)
  zo_ref[...] = jnp.dot(h, Wrs, preferred_element_type=jnp.float32) + b


def _k3_body(acc_ref, z_ref, inv_ref, batch_ref, hW1_ref, hb1_ref, hW2_ref,
             hb2_ref, out_ref):
  accsum = _unpack_acc(acc_ref)
  h = jnp.maximum(accsum * inv_ref[...] + z_ref[...], 0.0)
  cols = lax.broadcasted_iota(jnp.int32, (N, G), 1)
  oh = (batch_ref[...] == cols).astype(jnp.float32)
  hx = jnp.concatenate([h, jnp.ones((N, 1), jnp.float32)], axis=1)
  px = lax.dot_general(oh, hx, (((0,), (0,)), ((), ())),
                       preferred_element_type=jnp.float32)
  pooled = px[:, :H] / jnp.maximum(px[:, H:H + 1], 1.0)
  hh = jnp.maximum(
      jnp.dot(pooled, hW1_ref[...], preferred_element_type=jnp.float32)
      + hb1_ref[...], 0.0)
  out_ref[...] = (jnp.dot(hh, hW2_ref[...], preferred_element_type=jnp.float32)
                  + hb2_ref[...])


def kernel(x, edge_index, batch, Wl0, bl0, Wr0, g0, be0, rm0, rv0,
           Wl1, bl1, Wr1, g1, be1, rm1, rv1, Wl2, bl2, Wr2, g2, be2, rm2, rv2,
           hW1, hb1, hW2, hb2):
  f32 = jnp.float32
  src = jnp.pad(
      jnp.concatenate([edge_index[0], jnp.zeros((EPAD - E,), jnp.int32)])
      .reshape(NS, 2 * K, CHUNK), ((0, 0), (0, KS - 2 * K), (0, 0)))
  dst = jnp.pad(
      jnp.concatenate([edge_index[1], jnp.full((EPAD - E,), N, jnp.int32)])
      .reshape(NS, 2 * K, CHUNK), ((0, 0), (0, KS - 2 * K), (0, 0)),
      constant_values=N)
  zeros16 = jnp.zeros((RPT, DD), f32)
  ones16 = jnp.ones((CHUNK, DD), f32)
  zeros64 = jnp.zeros((RPT, H), f32)
  batch2 = batch.reshape(N, 1)
  r = lambda v: v.reshape(1, -1)
  hW2p = jnp.zeros((H // 2, 128), f32).at[:, :C].set(hW2)
  hb2p = jnp.zeros((1, 128), f32).at[0, :C].set(hb2)

  dega = _sc_deg()(dst, zeros16, ones16)

  y0, z0 = pl.pallas_call(
      _k0_body,
      out_shape=[jax.ShapeDtypeStruct((N, H), f32),
                 jax.ShapeDtypeStruct((N, H), f32)],
  )(x, Wl0, Wr0, r(bl0), r(g0), r(be0), r(rm0), r(rv0))

  acc0 = _sc_agg(H)(y0, src, dst, zeros64)

  y1, z1, inv = pl.pallas_call(
      _k1_body,
      out_shape=[jax.ShapeDtypeStruct((N, H), f32),
                 jax.ShapeDtypeStruct((N, H), f32),
                 jax.ShapeDtypeStruct((N, 1), f32)],
  )(acc0, dega, z0, Wl1, Wr1, r(bl1), r(g1), r(be1), r(rm1), r(rv1))

  acc1 = _sc_agg(H)(y1, src, dst, zeros64)

  y2, z2 = pl.pallas_call(
      _k2_body,
      out_shape=[jax.ShapeDtypeStruct((N, H), f32),
                 jax.ShapeDtypeStruct((N, H), f32)],
  )(acc1, z1, inv, Wl2, Wr2, r(bl2), r(g2), r(be2), r(rm2), r(rv2))

  acc2 = _sc_agg(H)(y2, src, dst, zeros64)

  out = pl.pallas_call(
      _k3_body,
      out_shape=jax.ShapeDtypeStruct((G, 128), f32),
  )(acc2, z2, inv, batch2, hW1, r(hb1), hW2p, hb2p)
  return out[:, :C]

# --- scband reference (transcript-rebuilt; emitter-appended) ---
"""Pipeline reference for scband-graph-sagenet-52398601012039 (READ-ONLY COPY).

The authoritative reference and input builder live on the scoring server;
editing this copy changes nothing except your own understanding.
"""

import jax, jax.numpy as jnp
import numpy as np

N = 10000
E = 320000
D = 128
H = 64
G = 16
C = 6

def setup_inputs(seed: int = 0):
    key = jax.random.key(seed)
    ks = jax.random.split(key, 20)
    inp = {}
    inp["x"] = jax.random.normal(ks[0], (N, D), dtype=jnp.float32)
    inp["edge_index"] = jax.random.randint(ks[1], (2, E), 0, N, dtype=jnp.int32)
    inp["batch"] = jnp.sort(jax.random.randint(ks[2], (N,), 0, G, dtype=jnp.int32))
    dims = [(D, H), (H, H), (H, H)]
    for i, (din, dout) in enumerate(dims):
        s = 1.0 / np.sqrt(din)
        inp[f"Wl{i}"] = jax.random.uniform(ks[3 + 4 * i], (din, dout), dtype=jnp.float32, minval=-s, maxval=s)
        inp[f"bl{i}"] = jnp.zeros((dout,), dtype=jnp.float32)
        inp[f"Wr{i}"] = jax.random.uniform(ks[4 + 4 * i], (din, dout), dtype=jnp.float32, minval=-s, maxval=s)
        inp[f"g{i}"] = jnp.ones((dout,), dtype=jnp.float32)
        inp[f"be{i}"] = jnp.zeros((dout,), dtype=jnp.float32)
        inp[f"rm{i}"] = jnp.zeros((dout,), dtype=jnp.float32)
        inp[f"rv{i}"] = jnp.ones((dout,), dtype=jnp.float32)
    s = 1.0 / np.sqrt(H)
    inp["hW1"] = jax.random.uniform(ks[16], (H, H // 2), dtype=jnp.float32, minval=-s, maxval=s)
    inp["hb1"] = jnp.zeros((H // 2,), dtype=jnp.float32)
    s2 = 1.0 / np.sqrt(H // 2)
    inp["hW2"] = jax.random.uniform(ks[17], (H // 2, C), dtype=jnp.float32, minval=-s2, maxval=s2)
    inp["hb2"] = jnp.zeros((C,), dtype=jnp.float32)
    return inp

def _sage(x, src, dst, Wl, bl, Wr):
    msgs = jnp.take(x, src, axis=0)
    agg = jax.ops.segment_sum(msgs, dst, num_segments=N)
    deg = jax.ops.segment_sum(jnp.ones((src.shape[0],), dtype=x.dtype), dst, num_segments=N)
    agg = agg / jnp.maximum(deg, 1.0)[:, None]
    return agg @ Wl + bl + x @ Wr

def _bn(x, g, b, rm, rv):
    return (x - rm) / jnp.sqrt(rv + 1e-5) * g + b

def reference(x, edge_index, batch, Wl0, bl0, Wr0, g0, be0, rm0, rv0, Wl1, bl1, Wr1, g1, be1, rm1, rv1, Wl2, bl2, Wr2, g2, be2, rm2, rv2, hW1, hb1, hW2, hb2):
    src = edge_index[0]
    dst = edge_index[1]
    params = [(Wl0, bl0, Wr0, g0, be0, rm0, rv0), (Wl1, bl1, Wr1, g1, be1, rm1, rv1), (Wl2, bl2, Wr2, g2, be2, rm2, rv2)]
    h = x
    for Wl, bl, Wr, g, be, rm, rv in params:
        h = _sage(h, src, dst, Wl, bl, Wr)
        h = _bn(h, g, be, rm, rv)
        h = jax.nn.relu(h)
    pooled = jax.ops.segment_sum(h, batch, num_segments=G)
    cnt = jax.ops.segment_sum(jnp.ones((N,), dtype=h.dtype), batch, num_segments=G)
    pooled = pooled / jnp.maximum(cnt, 1.0)[:, None]
    hh = jax.nn.relu(pooled @ hW1 + hb1)
    return hh @ hW2 + hb2

if __name__ == "__main__":
    import jax
    _d = setup_inputs()
    print(jax.jit(kernel)(*tuple(_d.values())))

</pallas_src>

<mosaic_0001>
#map = affine_map<(d0, d1) -> (0, 0)>
#map1 = affine_map<(d0, d1) -> (0, 0, 0)>
module attributes {stable_mosaic.version = 14 : i64} {
  func.func @agg(%arg0: i32, %arg1: i32, %arg2: memref<10000x64xf32, #tpu.memory_space<hbm>>, %arg3: memref<16x180x128xi32, #tpu.memory_space<hbm>>, %arg4: memref<16x180x128xi32, #tpu.memory_space<hbm>>, %arg5: memref<628x64xf32, #tpu.memory_space<hbm>>, %arg6: memref<2x10048x64xf32, #tpu.memory_space<hbm>>, %arg7: memref<90x128xi32, #tpu.memory_space<vmem>>, %arg8: memref<90x128xi32, #tpu.memory_space<vmem>>, %arg9: memref<128x64xf32, #tpu.memory_space<vmem>>, %arg10: memref<128x64xf32, #tpu.memory_space<vmem>>, %arg11: memref<10048x64xf32, #tpu.memory_space<vmem_shared>>, %arg12: memref<10000x64xf32, #tpu.memory_space<vmem_shared>>, %arg13: memref<!tpu.dma_semaphore, #tpu.memory_space<semaphore_mem>>) attributes {dimension_semantics = [#tpu.dimension_semantics<core_parallel>, #tpu.dimension_semantics<subcore_parallel>], iteration_bounds = array<i64: 2, 16>, scalar_prefetch = 0 : i64, scratch_operands = 7 : i64, tpu.core_type = #tpu.core_type<sc_vector_subcore>, window_params = [{transform_indices = #map}, {transform_indices = #map1}, {transform_indices = #map1}, {transform_indices = #map}, {transform_indices = #map1}]} {
    %mul3A = arith.constant 628 : i32
    %mul3A_0 = arith.muli %arg1, %mul3A : i32
    "tpu.region"() ({
      %run_scoped3A = tpu.sem_alloc : memref<!tpu.dma_semaphore, #tpu.memory_space<semaphore_mem>>
      %dma_start3A = arith.constant 0 : i32
      %dma_start3A_21 = tpu.memref_slice %arg11[%mul3A_0, %dma_start3A] : memref<10048x64xf32, #tpu.memory_space<vmem_shared>> -> memref<628x64xf32, #tpu.memory_space<vmem_shared>>
      tpu.enqueue_dma source(%arg5 : memref<628x64xf32, #tpu.memory_space<hbm>>) target(%dma_start3A_21 : memref<628x64xf32, #tpu.memory_space<vmem_shared>>) target_semaphore(%run_scoped3A : memref<!tpu.dma_semaphore, #tpu.memory_space<semaphore_mem>>)
      %dma_wait3A = arith.constant 0 : i32
      %dma_wait3A_22 = tpu.memref_slice %arg11[%mul3A_0, %dma_wait3A] : memref<10048x64xf32, #tpu.memory_space<vmem_shared>> -> memref<628x64xf32, #tpu.memory_space<vmem_shared>>
      tpu.wait_dma2 semaphore(%run_scoped3A : memref<!tpu.dma_semaphore, #tpu.memory_space<semaphore_mem>>) src(%arg5 : memref<628x64xf32, #tpu.memory_space<hbm>>) dst(%dma_wait3A_22 : memref<628x64xf32, #tpu.memory_space<vmem_shared>>)
      tpu.yield
    }) : () -> ()
    %mul3A_1 = arith.constant 625 : i32
    %mul3A_2 = arith.muli %arg1, %mul3A_1 : i32
    %mul3A_3 = arith.constant 625 : i32
    %mul3A_4 = arith.muli %arg1, %mul3A_3 : i32
    "tpu.region"() ({
      %run_scoped3A = tpu.sem_alloc : memref<!tpu.dma_semaphore, #tpu.memory_space<semaphore_mem>>
      %dma_start3A = arith.constant 0 : i32
      %dma_start3A_21 = tpu.memref_slice %arg12[%mul3A_4, %dma_start3A] : memref<10000x64xf32, #tpu.memory_space<vmem_shared>> -> memref<625x64xf32, #tpu.memory_space<vmem_shared>>
      %dma_start3A_22 = arith.constant 0 : i32
      %dma_start3A_23 = tpu.memref_slice %arg2[%mul3A_2, %dma_start3A_22] : memref<10000x64xf32, #tpu.memory_space<hbm>> -> memref<625x64xf32, #tpu.memory_space<hbm>>
      tpu.enqueue_dma source(%dma_start3A_23 : memref<625x64xf32, #tpu.memory_space<hbm>>) target(%dma_start3A_21 : memref<625x64xf32, #tpu.memory_space<vmem_shared>>) target_semaphore(%run_scoped3A : memref<!tpu.dma_semaphore, #tpu.memory_space<semaphore_mem>>)
      %dma_wait3A = arith.constant 0 : i32
      %dma_wait3A_24 = tpu.memref_slice %arg12[%mul3A_4, %dma_wait3A] : memref<10000x64xf32, #tpu.memory_space<vmem_shared>> -> memref<625x64xf32, #tpu.memory_space<vmem_shared>>
      %dma_wait3A_25 = arith.constant 0 : i32
      %dma_wait3A_26 = tpu.memref_slice %arg2[%mul3A_2, %dma_wait3A_25] : memref<10000x64xf32, #tpu.memory_space<hbm>> -> memref<625x64xf32, #tpu.memory_space<hbm>>
      tpu.wait_dma2 semaphore(%run_scoped3A : memref<!tpu.dma_semaphore, #tpu.memory_space<semaphore_mem>>) src(%dma_wait3A_26 : memref<625x64xf32, #tpu.memory_space<hbm>>) dst(%dma_wait3A_24 : memref<625x64xf32, #tpu.memory_space<vmem_shared>>)
      tpu.yield
    }) : () -> ()
    %mul3A_5 = arith.constant 90 : i32
    %mul3A_6 = arith.muli %arg0, %mul3A_5 : i32
    "tpu.region"() ({
      %run_scoped3A = tpu.sem_alloc : memref<!tpu.dma_semaphore, #tpu.memory_space<semaphore_mem>>
      %dma_start3A = arith.constant 0 : i32
      %dma_start3A_21 = tpu.memref_slice %arg3[%arg1, %mul3A_6, %dma_start3A] : memref<16x180x128xi32, #tpu.memory_space<hbm>> -> memref<1x90x128xi32, #tpu.memory_space<hbm>>
      %dma_start3A_22 = tpu.memref_squeeze %dma_start3A_21 : memref<1x90x128xi32, #tpu.memory_space<hbm>> -> memref<90x128xi32, #tpu.memory_space<hbm>>
      %dma_start3A_23 = arith.constant 0 : i32
      %dma_start3A_24 = tpu.memref_slice %arg3[%arg1, %mul3A_6, %dma_start3A_23] : memref<16x180x128xi32, #tpu.memory_space<hbm>> -> memref<1x90x128xi32, #tpu.memory_space<hbm>>
      %dma_start3A_25 = tpu.memref_squeeze %dma_start3A_24 : memref<1x90x128xi32, #tpu.memory_space<hbm>> -> memref<90x128xi32, #tpu.memory_space<hbm>>
      tpu.enqueue_dma source(%dma_start3A_25 : memref<90x128xi32, #tpu.memory_space<hbm>>) target(%arg7 : memref<90x128xi32, #tpu.memory_space<vmem>>) target_semaphore(%run_scoped3A : memref<!tpu.dma_semaphore, #tpu.memory_space<semaphore_mem>>)
      %dma_wait3A = arith.constant 0 : i32
      %dma_wait3A_26 = tpu.memref_slice %arg3[%arg1, %mul3A_6, %dma_wait3A] : memref<16x180x128xi32, #tpu.memory_space<hbm>> -> memref<1x90x128xi32, #tpu.memory_space<hbm>>
      %dma_wait3A_27 = tpu.memref_squeeze %dma_wait3A_26 : memref<1x90x128xi32, #tpu.memory_space<hbm>> -> memref<90x128xi32, #tpu.memory_space<hbm>>
      %dma_wait3A_28 = arith.constant 0 : i32
      %dma_wait3A_29 = tpu.memref_slice %arg3[%arg1, %mul3A_6, %dma_wait3A_28] : memref<16x180x128xi32, #tpu.memory_space<hbm>> -> memref<1x90x128xi32, #tpu.memory_space<hbm>>
      %dma_wait3A_30 = tpu.memref_squeeze %dma_wait3A_29 : memref<1x90x128xi32, #tpu.memory_space<hbm>> -> memref<90x128xi32, #tpu.memory_space<hbm>>
      tpu.wait_dma2 semaphore(%run_scoped3A : memref<!tpu.dma_semaphore, #tpu.memory_space<semaphore_mem>>) src(%dma_wait3A_30 : memref<90x128xi32, #tpu.memory_space<hbm>>) dst(%arg7 : memref<90x128xi32, #tpu.memory_space<vmem>>)
      tpu.yield
    }) : () -> ()
    %mul3A_7 = arith.constant 90 : i32
    %mul3A_8 = arith.muli %arg0, %mul3A_7 : i32
    "tpu.region"() ({
      %run_scoped3A = tpu.sem_alloc : memref<!tpu.dma_semaphore, #tpu.memory_space<semaphore_mem>>
      %dma_start3A = arith.constant 0 : i32
      %dma_start3A_21 = tpu.memref_slice %arg4[%arg1, %mul3A_8, %dma_start3A] : memref<16x180x128xi32, #tpu.memory_space<hbm>> -> memref<1x90x128xi32, #tpu.memory_space<hbm>>
      %dma_start3A_22 = tpu.memref_squeeze %dma_start3A_21 : memref<1x90x128xi32, #tpu.memory_space<hbm>> -> memref<90x128xi32, #tpu.memory_space<hbm>>
      %dma_start3A_23 = arith.constant 0 : i32
      %dma_start3A_24 = tpu.memref_slice %arg4[%arg1, %mul3A_8, %dma_start3A_23] : memref<16x180x128xi32, #tpu.memory_space<hbm>> -> memref<1x90x128xi32, #tpu.memory_space<hbm>>
      %dma_start3A_25 = tpu.memref_squeeze %dma_start3A_24 : memref<1x90x128xi32, #tpu.memory_space<hbm>> -> memref<90x128xi32, #tpu.memory_space<hbm>>
      tpu.enqueue_dma source(%dma_start3A_25 : memref<90x128xi32, #tpu.memory_space<hbm>>) target(%arg8 : memref<90x128xi32, #tpu.memory_space<vmem>>) target_semaphore(%run_scoped3A : memref<!tpu.dma_semaphore, #tpu.memory_space<semaphore_mem>>)
      %dma_wait3A = arith.constant 0 : i32
      %dma_wait3A_26 = tpu.memref_slice %arg4[%arg1, %mul3A_8, %dma_wait3A] : memref<16x180x128xi32, #tpu.memory_space<hbm>> -> memref<1x90x128xi32, #tpu.memory_space<hbm>>
      %dma_wait3A_27 = tpu.memref_squeeze %dma_wait3A_26 : memref<1x90x128xi32, #tpu.memory_space<hbm>> -> memref<90x128xi32, #tpu.memory_space<hbm>>
      %dma_wait3A_28 = arith.constant 0 : i32
      %dma_wait3A_29 = tpu.memref_slice %arg4[%arg1, %mul3A_8, %dma_wait3A_28] : memref<16x180x128xi32, #tpu.memory_space<hbm>> -> memref<1x90x128xi32, #tpu.memory_space<hbm>>
      %dma_wait3A_30 = tpu.memref_squeeze %dma_wait3A_29 : memref<1x90x128xi32, #tpu.memory_space<hbm>> -> memref<90x128xi32, #tpu.memory_space<hbm>>
      tpu.wait_dma2 semaphore(%run_scoped3A : memref<!tpu.dma_semaphore, #tpu.memory_space<semaphore_mem>>) src(%dma_wait3A_30 : memref<90x128xi32, #tpu.memory_space<hbm>>) dst(%arg8 : memref<90x128xi32, #tpu.memory_space<vmem>>)
      tpu.yield
    }) : () -> ()
    %barrier3A = arith.constant 0 : index
    tpu.barrier barrier_id(%barrier3A)
    %eq3A = arith.constant 0 : i32
    %eq3A_9 = arith.cmpi eq, %arg0, %eq3A : i32
    %jit3A = arith.constant 45 : i32
    %jit3A_10 = arith.constant 35 : i32
    %select_n3A = arith.select %eq3A_9, %jit3A, %jit3A_10 : i32
    %while3A = arith.constant 0 : i32
    %while3A_11 = arith.constant 0 : i32
    %while3A_12 = arith.subi %select_n3A, %while3A_11 : i32
    %while3A_13 = arith.addi %while3A_11, %while3A_12 : i32
    %while3A_14 = arith.constant 1 : i32
    %while3A_15 = arith.divsi %while3A_12, %while3A_14 : i32
    %while3A_16 = arith.muli %while3A_15, %while3A_14 : i32
    %while3A_17 = arith.addi %while3A_11, %while3A_16 : i32
    %while3A_18 = arith.constant 1 : i32
    scf.for %while3A_21 = %while3A_11 to %while3A_17 step %while3A_18  : i32 {
      %mul3A_22 = arith.constant 2 : i32
      %mul3A_23 = arith.muli %mul3A_22, %while3A_21 : i32
      %mul3A_24 = arith.constant 2 : i32
      %mul3A_25 = arith.muli %mul3A_24, %while3A_21 : i32
      %add3A = arith.constant 1 : i32
      %add3A_26 = arith.addi %mul3A_25, %add3A : i32
      %dma_start3A = arith.constant 0 : i32
      %dma_start3A_27 = tpu.memref_slice %arg7[%mul3A_23, %dma_start3A] : memref<90x128xi32, #tpu.memory_space<vmem>> -> memref<1x128xi32, #tpu.memory_space<vmem>>
      %dma_start3A_28 = tpu.memref_squeeze %dma_start3A_27 : memref<1x128xi32, #tpu.memory_space<vmem>> -> memref<128xi32, #tpu.memory_space<vmem>>
      %dma_start3A_29 = arith.constant 0 : i32
      %dma_start3A_30 = arith.constant 0 : i32
      %dma_start3A_31 = tpu.memref_slice %arg12[%dma_start3A_29, %dma_start3A_30] : memref<10000x64xf32, #tpu.memory_space<vmem_shared>> -> memref<10000x64xf32, #tpu.memory_space<vmem_shared>>
      tpu.enqueue_indirect_dma source(%dma_start3A_31 : memref<10000x64xf32, #tpu.memory_space<vmem_shared>>) target(%arg9 : memref<128x64xf32, #tpu.memory_space<vmem>>) offsets(%dma_start3A_28 : memref<128xi32, #tpu.memory_space<vmem>>) semaphore(%arg13 : memref<!tpu.dma_semaphore, #tpu.memory_space<semaphore_mem>>)
      %dma_start3A_32 = arith.constant 0 : i32
      %dma_start3A_33 = tpu.memref_slice %arg7[%add3A_26, %dma_start3A_32] : memref<90x128xi32, #tpu.memory_space<vmem>> -> memref<1x128xi32, #tpu.memory_space<vmem>>
      %dma_start3A_34 = tpu.memref_squeeze %dma_start3A_33 : memref<1x128xi32, #tpu.memory_space<vmem>> -> memref<128xi32, #tpu.memory_space<vmem>>
      %dma_start3A_35 = arith.constant 0 : i32
      %dma_start3A_36 = arith.constant 0 : i32
      %dma_start3A_37 = tpu.memref_slice %arg12[%dma_start3A_35, %dma_start3A_36] : memref<10000x64xf32, #tpu.memory_space<vmem_shared>> -> memref<10000x64xf32, #tpu.memory_space<vmem_shared>>
      tpu.enqueue_indirect_dma source(%dma_start3A_37 : memref<10000x64xf32, #tpu.memory_space<vmem_shared>>) target(%arg10 : memref<128x64xf32, #tpu.memory_space<vmem>>) offsets(%dma_start3A_34 : memref<128xi32, #tpu.memory_space<vmem>>) semaphore(%arg13 : memref<!tpu.dma_semaphore, #tpu.memory_space<semaphore_mem>>)
      %dma_wait3A = arith.constant 0 : i32
      %dma_wait3A_38 = tpu.memref_slice %arg7[%mul3A_23, %dma_wait3A] : memref<90x128xi32, #tpu.memory_space<vmem>> -> memref<1x128xi32, #tpu.memory_space<vmem>>
      %dma_wait3A_39 = tpu.memref_squeeze %dma_wait3A_38 : memref<1x128xi32, #tpu.memory_space<vmem>> -> memref<128xi32, #tpu.memory_space<vmem>>
      %dma_wait3A_40 = arith.constant 0 : i32
      %dma_wait3A_41 = arith.constant 0 : i32
      %dma_wait3A_42 = tpu.memref_slice %arg12[%dma_wait3A_40, %dma_wait3A_41] : memref<10000x64xf32, #tpu.memory_space<vmem_shared>> -> memref<10000x64xf32, #tpu.memory_space<vmem_shared>>
      tpu.wait_indirect_dma semaphore(%arg13 : memref<!tpu.dma_semaphore, #tpu.memory_space<semaphore_mem>>) src(%dma_wait3A_42 : memref<10000x64xf32, #tpu.memory_space<vmem_shared>>) dst(%arg9 : memref<128x64xf32, #tpu.memory_space<vmem>>)
      "tpu.region"() ({
        %run_scoped3A = tpu.sem_alloc : memref<!tpu.dma_semaphore, #tpu.memory_space<semaphore_mem>>
        %dma_start3A_49 = arith.constant 0 : i32
        %dma_start3A_50 = tpu.memref_slice %arg8[%mul3A_23, %dma_start3A_49] : memref<90x128xi32, #tpu.memory_space<vmem>> -> memref<1x128xi32, #tpu.memory_space<vmem>>
        %dma_start3A_51 = tpu.memref_squeeze %dma_start3A_50 : memref<1x128xi32, #tpu.memory_space<vmem>> -> memref<128xi32, #tpu.memory_space<vmem>>
        %dma_start3A_52 = arith.constant 0 : i32
        %dma_start3A_53 = arith.constant 0 : i32
        %dma_start3A_54 = tpu.memref_slice %arg11[%dma_start3A_52, %dma_start3A_53] : memref<10048x64xf32, #tpu.memory_space<vmem_shared>> -> memref<10048x64xf32, #tpu.memory_space<vmem_shared>>
        tpu.enqueue_indirect_dma source(%arg9 : memref<128x64xf32, #tpu.memory_space<vmem>>) target(%dma_start3A_54 : memref<10048x64xf32, #tpu.memory_space<vmem_shared>>) offsets(%dma_start3A_51 : memref<128xi32, #tpu.memory_space<vmem>>) semaphore(%run_scoped3A : memref<!tpu.dma_semaphore, #tpu.memory_space<semaphore_mem>>) {add = true}
        %dma_wait3A_55 = arith.constant 0 : i32
        %dma_wait3A_56 = tpu.memref_slice %arg8[%mul3A_23, %dma_wait3A_55] : memref<90x128xi32, #tpu.memory_space<vmem>> -> memref<1x128xi32, #tpu.memory_space<vmem>>
        %dma_wait3A_57 = tpu.memref_squeeze %dma_wait3A_56 : memref<1x128xi32, #tpu.memory_space<vmem>> -> memref<128xi32, #tpu.memory_space<vmem>>
        %dma_wait3A_58 = arith.constant 0 : i32
        %dma_wait3A_59 = arith.constant 0 : i32
        %dma_wait3A_60 = tpu.memref_slice %arg11[%dma_wait3A_58, %dma_wait3A_59] : memref<10048x64xf32, #tpu.memory_space<vmem_shared>> -> memref<10048x64xf32, #tpu.memory_space<vmem_shared>>
        tpu.wait_indirect_dma semaphore(%run_scoped3A : memref<!tpu.dma_semaphore, #tpu.memory_space<semaphore_mem>>) src(%arg9 : memref<128x64xf32, #tpu.memory_space<vmem>>) dst(%dma_wait3A_60 : memref<10048x64xf32, #tpu.memory_space<vmem_shared>>)
        tpu.yield
      }) : () -> ()
      %dma_wait3A_43 = arith.constant 0 : i32
      %dma_wait3A_44 = tpu.memref_slice %arg7[%add3A_26, %dma_wait3A_43] : memref<90x128xi32, #tpu.memory_space<vmem>> -> memref<1x128xi32, #tpu.memory_space<vmem>>
      %dma_wait3A_45 = tpu.memref_squeeze %dma_wait3A_44 : memref<1x128xi32, #tpu.memory_space<vmem>> -> memref<128xi32, #tpu.memory_space<vmem>>
      %dma_wait3A_46 = arith.constant 0 : i32
      %dma_wait3A_47 = arith.constant 0 : i32
      %dma_wait3A_48 = tpu.memref_slice %arg12[%dma_wait3A_46, %dma_wait3A_47] : memref<10000x64xf32, #tpu.memory_space<vmem_shared>> -> memref<10000x64xf32, #tpu.memory_space<vmem_shared>>
      tpu.wait_indirect_dma semaphore(%arg13 : memref<!tpu.dma_semaphore, #tpu.memory_space<semaphore_mem>>) src(%dma_wait3A_48 : memref<10000x64xf32, #tpu.memory_space<vmem_shared>>) dst(%arg10 : memref<128x64xf32, #tpu.memory_space<vmem>>)
      "tpu.region"() ({
        %run_scoped3A = tpu.sem_alloc : memref<!tpu.dma_semaphore, #tpu.memory_space<semaphore_mem>>
        %dma_start3A_49 = arith.constant 0 : i32
        %dma_start3A_50 = tpu.memref_slice %arg8[%add3A_26, %dma_start3A_49] : memref<90x128xi32, #tpu.memory_space<vmem>> -> memref<1x128xi32, #tpu.memory_space<vmem>>
        %dma_start3A_51 = tpu.memref_squeeze %dma_start3A_50 : memref<1x128xi32, #tpu.memory_space<vmem>> -> memref<128xi32, #tpu.memory_space<vmem>>
        %dma_start3A_52 = arith.constant 0 : i32
        %dma_start3A_53 = arith.constant 0 : i32
        %dma_start3A_54 = tpu.memref_slice %arg11[%dma_start3A_52, %dma_start3A_53] : memref<10048x64xf32, #tpu.memory_space<vmem_shared>> -> memref<10048x64xf32, #tpu.memory_space<vmem_shared>>
        tpu.enqueue_indirect_dma source(%arg10 : memref<128x64xf32, #tpu.memory_space<vmem>>) target(%dma_start3A_54 : memref<10048x64xf32, #tpu.memory_space<vmem_shared>>) offsets(%dma_start3A_51 : memref<128xi32, #tpu.memory_space<vmem>>) semaphore(%run_scoped3A : memref<!tpu.dma_semaphore, #tpu.memory_space<semaphore_mem>>) {add = true}
        %dma_wait3A_55 = arith.constant 0 : i32
        %dma_wait3A_56 = tpu.memref_slice %arg8[%add3A_26, %dma_wait3A_55] : memref<90x128xi32, #tpu.memory_space<vmem>> -> memref<1x128xi32, #tpu.memory_space<vmem>>
        %dma_wait3A_57 = tpu.memref_squeeze %dma_wait3A_56 : memref<1x128xi32, #tpu.memory_space<vmem>> -> memref<128xi32, #tpu.memory_space<vmem>>
        %dma_wait3A_58 = arith.constant 0 : i32
        %dma_wait3A_59 = arith.constant 0 : i32
        %dma_wait3A_60 = tpu.memref_slice %arg11[%dma_wait3A_58, %dma_wait3A_59] : memref<10048x64xf32, #tpu.memory_space<vmem_shared>> -> memref<10048x64xf32, #tpu.memory_space<vmem_shared>>
        tpu.wait_indirect_dma semaphore(%run_scoped3A : memref<!tpu.dma_semaphore, #tpu.memory_space<semaphore_mem>>) src(%arg10 : memref<128x64xf32, #tpu.memory_space<vmem>>) dst(%dma_wait3A_60 : memref<10048x64xf32, #tpu.memory_space<vmem_shared>>)
        tpu.yield
      }) : () -> ()
    }
    %while3A_19 = arith.constant 1 : i32
    scf.for %while3A_21 = %while3A_17 to %while3A_13 step %while3A_19  : i32 {
      %mul3A_22 = arith.constant 2 : i32
      %mul3A_23 = arith.muli %mul3A_22, %while3A_21 : i32
      %mul3A_24 = arith.constant 2 : i32
      %mul3A_25 = arith.muli %mul3A_24, %while3A_21 : i32
      %add3A = arith.constant 1 : i32
      %add3A_26 = arith.addi %mul3A_25, %add3A : i32
      %dma_start3A = arith.constant 0 : i32
      %dma_start3A_27 = tpu.memref_slice %arg7[%mul3A_23, %dma_start3A] : memref<90x128xi32, #tpu.memory_space<vmem>> -> memref<1x128xi32, #tpu.memory_space<vmem>>
      %dma_start3A_28 = tpu.memref_squeeze %dma_start3A_27 : memref<1x128xi32, #tpu.memory_space<vmem>> -> memref<128xi32, #tpu.memory_space<vmem>>
      %dma_start3A_29 = arith.constant 0 : i32
      %dma_start3A_30 = arith.constant 0 : i32
      %dma_start3A_31 = tpu.memref_slice %arg12[%dma_start3A_29, %dma_start3A_30] : memref<10000x64xf32, #tpu.memory_space<vmem_shared>> -> memref<10000x64xf32, #tpu.memory_space<vmem_shared>>
      tpu.enqueue_indirect_dma source(%dma_start3A_31 : memref<10000x64xf32, #tpu.memory_space<vmem_shared>>) target(%arg9 : memref<128x64xf32, #tpu.memory_space<vmem>>) offsets(%dma_start3A_28 : memref<128xi32, #tpu.memory_space<vmem>>) semaphore(%arg13 : memref<!tpu.dma_semaphore, #tpu.memory_space<semaphore_mem>>)
      %dma_start3A_32 = arith.constant 0 : i32
      %dma_start3A_33 = tpu.memref_slice %arg7[%add3A_26, %dma_start3A_32] : memref<90x128xi32, #tpu.memory_space<vmem>> -> memref<1x128xi32, #tpu.memory_space<vmem>>
      %dma_start3A_34 = tpu.memref_squeeze %dma_start3A_33 : memref<1x128xi32, #tpu.memory_space<vmem>> -> memref<128xi32, #tpu.memory_space<vmem>>
      %dma_start3A_35 = arith.constant 0 : i32
      %dma_start3A_36 = arith.constant 0 : i32
      %dma_start3A_37 = tpu.memref_slice %arg12[%dma_start3A_35, %dma_start3A_36] : memref<10000x64xf32, #tpu.memory_space<vmem_shared>> -> memref<10000x64xf32, #tpu.memory_space<vmem_shared>>
      tpu.enqueue_indirect_dma source(%dma_start3A_37 : memref<10000x64xf32, #tpu.memory_space<vmem_shared>>) target(%arg10 : memref<128x64xf32, #tpu.memory_space<vmem>>) offsets(%dma_start3A_34 : memref<128xi32, #tpu.memory_space<vmem>>) semaphore(%arg13 : memref<!tpu.dma_semaphore, #tpu.memory_space<semaphore_mem>>)
      %dma_wait3A = arith.constant 0 : i32
      %dma_wait3A_38 = tpu.memref_slice %arg7[%mul3A_23, %dma_wait3A] : memref<90x128xi32, #tpu.memory_space<vmem>> -> memref<1x128xi32, #tpu.memory_space<vmem>>
      %dma_wait3A_39 = tpu.memref_squeeze %dma_wait3A_38 : memref<1x128xi32, #tpu.memory_space<vmem>> -> memref<128xi32, #tpu.memory_space<vmem>>
      %dma_wait3A_40 = arith.constant 0 : i32
      %dma_wait3A_41 = arith.constant 0 : i32
      %dma_wait3A_42 = tpu.memref_slice %arg12[%dma_wait3A_40, %dma_wait3A_41] : memref<10000x64xf32, #tpu.memory_space<vmem_shared>> -> memref<10000x64xf32, #tpu.memory_space<vmem_shared>>
      tpu.wait_indirect_dma semaphore(%arg13 : memref<!tpu.dma_semaphore, #tpu.memory_space<semaphore_mem>>) src(%dma_wait3A_42 : memref<10000x64xf32, #tpu.memory_space<vmem_shared>>) dst(%arg9 : memref<128x64xf32, #tpu.memory_space<vmem>>)
      "tpu.region"() ({
        %run_scoped3A = tpu.sem_alloc : memref<!tpu.dma_semaphore, #tpu.memory_space<semaphore_mem>>
        %dma_start3A_49 = arith.constant 0 : i32
        %dma_start3A_50 = tpu.memref_slice %arg8[%mul3A_23, %dma_start3A_49] : memref<90x128xi32, #tpu.memory_space<vmem>> -> memref<1x128xi32, #tpu.memory_space<vmem>>
        %dma_start3A_51 = tpu.memref_squeeze %dma_start3A_50 : memref<1x128xi32, #tpu.memory_space<vmem>> -> memref<128xi32, #tpu.memory_space<vmem>>
        %dma_start3A_52 = arith.constant 0 : i32
        %dma_start3A_53 = arith.constant 0 : i32
        %dma_start3A_54 = tpu.memref_slice %arg11[%dma_start3A_52, %dma_start3A_53] : memref<10048x64xf32, #tpu.memory_space<vmem_shared>> -> memref<10048x64xf32, #tpu.memory_space<vmem_shared>>
        tpu.enqueue_indirect_dma source(%arg9 : memref<128x64xf32, #tpu.memory_space<vmem>>) target(%dma_start3A_54 : memref<10048x64xf32, #tpu.memory_space<vmem_shared>>) offsets(%dma_start3A_51 : memref<128xi32, #tpu.memory_space<vmem>>) semaphore(%run_scoped3A : memref<!tpu.dma_semaphore, #tpu.memory_space<semaphore_mem>>) {add = true}
        %dma_wait3A_55 = arith.constant 0 : i32
        %dma_wait3A_56 = tpu.memref_slice %arg8[%mul3A_23, %dma_wait3A_55] : memref<90x128xi32, #tpu.memory_space<vmem>> -> memref<1x128xi32, #tpu.memory_space<vmem>>
        %dma_wait3A_57 = tpu.memref_squeeze %dma_wait3A_56 : memref<1x128xi32, #tpu.memory_space<vmem>> -> memref<128xi32, #tpu.memory_space<vmem>>
        %dma_wait3A_58 = arith.constant 0 : i32
        %dma_wait3A_59 = arith.constant 0 : i32
        %dma_wait3A_60 = tpu.memref_slice %arg11[%dma_wait3A_58, %dma_wait3A_59] : memref<10048x64xf32, #tpu.memory_space<vmem_shared>> -> memref<10048x64xf32, #tpu.memory_space<vmem_shared>>
        tpu.wait_indirect_dma semaphore(%run_scoped3A : memref<!tpu.dma_semaphore, #tpu.memory_space<semaphore_mem>>) src(%arg9 : memref<128x64xf32, #tpu.memory_space<vmem>>) dst(%dma_wait3A_60 : memref<10048x64xf32, #tpu.memory_space<vmem_shared>>)
        tpu.yield
      }) : () -> ()
      %dma_wait3A_43 = arith.constant 0 : i32
      %dma_wait3A_44 = tpu.memref_slice %arg7[%add3A_26, %dma_wait3A_43] : memref<90x128xi32, #tpu.memory_space<vmem>> -> memref<1x128xi32, #tpu.memory_space<vmem>>
      %dma_wait3A_45 = tpu.memref_squeeze %dma_wait3A_44 : memref<1x128xi32, #tpu.memory_space<vmem>> -> memref<128xi32, #tpu.memory_space<vmem>>
      %dma_wait3A_46 = arith.constant 0 : i32
      %dma_wait3A_47 = arith.constant 0 : i32
      %dma_wait3A_48 = tpu.memref_slice %arg12[%dma_wait3A_46, %dma_wait3A_47] : memref<10000x64xf32, #tpu.memory_space<vmem_shared>> -> memref<10000x64xf32, #tpu.memory_space<vmem_shared>>
      tpu.wait_indirect_dma semaphore(%arg13 : memref<!tpu.dma_semaphore, #tpu.memory_space<semaphore_mem>>) src(%dma_wait3A_48 : memref<10000x64xf32, #tpu.memory_space<vmem_shared>>) dst(%arg10 : memref<128x64xf32, #tpu.memory_space<vmem>>)
      "tpu.region"() ({
        %run_scoped3A = tpu.sem_alloc : memref<!tpu.dma_semaphore, #tpu.memory_space<semaphore_mem>>
        %dma_start3A_49 = arith.constant 0 : i32
        %dma_start3A_50 = tpu.memref_slice %arg8[%add3A_26, %dma_start3A_49] : memref<90x128xi32, #tpu.memory_space<vmem>> -> memref<1x128xi32, #tpu.memory_space<vmem>>
        %dma_start3A_51 = tpu.memref_squeeze %dma_start3A_50 : memref<1x128xi32, #tpu.memory_space<vmem>> -> memref<128xi32, #tpu.memory_space<vmem>>
        %dma_start3A_52 = arith.constant 0 : i32
        %dma_start3A_53 = arith.constant 0 : i32
        %dma_start3A_54 = tpu.memref_slice %arg11[%dma_start3A_52, %dma_start3A_53] : memref<10048x64xf32, #tpu.memory_space<vmem_shared>> -> memref<10048x64xf32, #tpu.memory_space<vmem_shared>>
        tpu.enqueue_indirect_dma source(%arg10 : memref<128x64xf32, #tpu.memory_space<vmem>>) target(%dma_start3A_54 : memref<10048x64xf32, #tpu.memory_space<vmem_shared>>) offsets(%dma_start3A_51 : memref<128xi32, #tpu.memory_space<vmem>>) semaphore(%run_scoped3A : memref<!tpu.dma_semaphore, #tpu.memory_space<semaphore_mem>>) {add = true}
        %dma_wait3A_55 = arith.constant 0 : i32
        %dma_wait3A_56 = tpu.memref_slice %arg8[%add3A_26, %dma_wait3A_55] : memref<90x128xi32, #tpu.memory_space<vmem>> -> memref<1x128xi32, #tpu.memory_space<vmem>>
        %dma_wait3A_57 = tpu.memref_squeeze %dma_wait3A_56 : memref<1x128xi32, #tpu.memory_space<vmem>> -> memref<128xi32, #tpu.memory_space<vmem>>
        %dma_wait3A_58 = arith.constant 0 : i32
        %dma_wait3A_59 = arith.constant 0 : i32
        %dma_wait3A_60 = tpu.memref_slice %arg11[%dma_wait3A_58, %dma_wait3A_59] : memref<10048x64xf32, #tpu.memory_space<vmem_shared>> -> memref<10048x64xf32, #tpu.memory_space<vmem_shared>>
        tpu.wait_indirect_dma semaphore(%run_scoped3A : memref<!tpu.dma_semaphore, #tpu.memory_space<semaphore_mem>>) src(%arg10 : memref<128x64xf32, #tpu.memory_space<vmem>>) dst(%dma_wait3A_60 : memref<10048x64xf32, #tpu.memory_space<vmem_shared>>)
        tpu.yield
      }) : () -> ()
    }
    %barrier3A_20 = arith.constant 0 : index
    tpu.barrier barrier_id(%barrier3A_20)
    "tpu.region"() ({
      %run_scoped3A = tpu.sem_alloc : memref<!tpu.dma_semaphore, #tpu.memory_space<semaphore_mem>>
      %dma_start3A = arith.constant 0 : i32
      %dma_start3A_21 = tpu.memref_slice %arg6[%arg0, %mul3A_0, %dma_start3A] : memref<2x10048x64xf32, #tpu.memory_space<hbm>> -> memref<1x628x64xf32, #tpu.memory_space<hbm>>
      %dma_start3A_22 = tpu.memref_squeeze %dma_start3A_21 : memref<1x628x64xf32, #tpu.memory_space<hbm>> -> memref<628x64xf32, #tpu.memory_space<hbm>>
      %dma_start3A_23 = arith.constant 0 : i32
      %dma_start3A_24 = tpu.memref_slice %arg11[%mul3A_0, %dma_start3A_23] : memref<10048x64xf32, #tpu.memory_space<vmem_shared>> -> memref<628x64xf32, #tpu.memory_space<vmem_shared>>
      tpu.enqueue_dma source(%dma_start3A_24 : memref<628x64xf32, #tpu.memory_space<vmem_shared>>) target(%dma_start3A_22 : memref<628x64xf32, #tpu.memory_space<hbm>>) target_semaphore(%run_scoped3A : memref<!tpu.dma_semaphore, #tpu.memory_space<semaphore_mem>>)
      %dma_wait3A = arith.constant 0 : i32
      %dma_wait3A_25 = tpu.memref_slice %arg6[%arg0, %mul3A_0, %dma_wait3A] : memref<2x10048x64xf32, #tpu.memory_space<hbm>> -> memref<1x628x64xf32, #tpu.memory_space<hbm>>
      %dma_wait3A_26 = tpu.memref_squeeze %dma_wait3A_25 : memref<1x628x64xf32, #tpu.memory_space<hbm>> -> memref<628x64xf32, #tpu.memory_space<hbm>>
      %dma_wait3A_27 = arith.constant 0 : i32
      %dma_wait3A_28 = tpu.memref_slice %arg11[%mul3A_0, %dma_wait3A_27] : memref<10048x64xf32, #tpu.memory_space<vmem_shared>> -> memref<628x64xf32, #tpu.memory_space<vmem_shared>>
      tpu.wait_dma2 semaphore(%run_scoped3A : memref<!tpu.dma_semaphore, #tpu.memory_space<semaphore_mem>>) src(%dma_wait3A_28 : memref<628x64xf32, #tpu.memory_space<vmem_shared>>) dst(%dma_wait3A_26 : memref<628x64xf32, #tpu.memory_space<hbm>>)
      tpu.yield
    }) : () -> ()
    return
  }
}

#map = affine_map<(d0, d1) -> (0, 0, 0)>
#map1 = affine_map<(d0, d1) -> (0, 0)>
module attributes {stable_mosaic.version = 14 : i64} {
  func.func @deg(%arg0: i32, %arg1: i32, %arg2: memref<16x180x128xi32, #tpu.memory_space<hbm>>, %arg3: memref<628x16xf32, #tpu.memory_space<hbm>>, %arg4: memref<128x16xf32, #tpu.memory_space<hbm>>, %arg5: memref<2x10048x16xf32, #tpu.memory_space<hbm>>, %arg6: memref<90x128xi32, #tpu.memory_space<vmem>>, %arg7: memref<128x16xf32, #tpu.memory_space<vmem>>, %arg8: memref<10048x16xf32, #tpu.memory_space<vmem_shared>>) attributes {dimension_semantics = [#tpu.dimension_semantics<core_parallel>, #tpu.dimension_semantics<subcore_parallel>], iteration_bounds = array<i64: 2, 16>, scalar_prefetch = 0 : i64, scratch_operands = 3 : i64, tpu.core_type = #tpu.core_type<sc_vector_subcore>, window_params = [{transform_indices = #map}, {transform_indices = #map1}, {transform_indices = #map1}, {transform_indices = #map}]} {
    %mul3A = arith.constant 628 : i32
    %mul3A_0 = arith.muli %arg1, %mul3A : i32
    "tpu.region"() ({
      %run_scoped3A = tpu.sem_alloc : memref<!tpu.dma_semaphore, #tpu.memory_space<semaphore_mem>>
      %dma_start3A = arith.constant 0 : i32
      %dma_start3A_15 = tpu.memref_slice %arg8[%mul3A_0, %dma_start3A] : memref<10048x16xf32, #tpu.memory_space<vmem_shared>> -> memref<628x16xf32, #tpu.memory_space<vmem_shared>>
      tpu.enqueue_dma source(%arg3 : memref<628x16xf32, #tpu.memory_space<hbm>>) target(%dma_start3A_15 : memref<628x16xf32, #tpu.memory_space<vmem_shared>>) target_semaphore(%run_scoped3A : memref<!tpu.dma_semaphore, #tpu.memory_space<semaphore_mem>>)
      %dma_wait3A = arith.constant 0 : i32
      %dma_wait3A_16 = tpu.memref_slice %arg8[%mul3A_0, %dma_wait3A] : memref<10048x16xf32, #tpu.memory_space<vmem_shared>> -> memref<628x16xf32, #tpu.memory_space<vmem_shared>>
      tpu.wait_dma2 semaphore(%run_scoped3A : memref<!tpu.dma_semaphore, #tpu.memory_space<semaphore_mem>>) src(%arg3 : memref<628x16xf32, #tpu.memory_space<hbm>>) dst(%dma_wait3A_16 : memref<628x16xf32, #tpu.memory_space<vmem_shared>>)
      tpu.yield
    }) : () -> ()
    "tpu.region"() ({
      %run_scoped3A = tpu.sem_alloc : memref<!tpu.dma_semaphore, #tpu.memory_space<semaphore_mem>>
      tpu.enqueue_dma source(%arg4 : memref<128x16xf32, #tpu.memory_space<hbm>>) target(%arg7 : memref<128x16xf32, #tpu.memory_space<vmem>>) target_semaphore(%run_scoped3A : memref<!tpu.dma_semaphore, #tpu.memory_space<semaphore_mem>>)
      tpu.wait_dma2 semaphore(%run_scoped3A : memref<!tpu.dma_semaphore, #tpu.memory_space<semaphore_mem>>) src(%arg4 : memref<128x16xf32, #tpu.memory_space<hbm>>) dst(%arg7 : memref<128x16xf32, #tpu.memory_space<vmem>>)
      tpu.yield
    }) : () -> ()
    %mul3A_1 = arith.constant 90 : i32
    %mul3A_2 = arith.muli %arg0, %mul3A_1 : i32
    "tpu.region"() ({
      %run_scoped3A = tpu.sem_alloc : memref<!tpu.dma_semaphore, #tpu.memory_space<semaphore_mem>>
      %dma_start3A = arith.constant 0 : i32
      %dma_start3A_15 = tpu.memref_slice %arg2[%arg1, %mul3A_2, %dma_start3A] : memref<16x180x128xi32, #tpu.memory_space<hbm>> -> memref<1x90x128xi32, #tpu.memory_space<hbm>>
      %dma_start3A_16 = tpu.memref_squeeze %dma_start3A_15 : memref<1x90x128xi32, #tpu.memory_space<hbm>> -> memref<90x128xi32, #tpu.memory_space<hbm>>
      %dma_start3A_17 = arith.constant 0 : i32
      %dma_start3A_18 = tpu.memref_slice %arg2[%arg1, %mul3A_2, %dma_start3A_17] : memref<16x180x128xi32, #tpu.memory_space<hbm>> -> memref<1x90x128xi32, #tpu.memory_space<hbm>>
      %dma_start3A_19 = tpu.memref_squeeze %dma_start3A_18 : memref<1x90x128xi32, #tpu.memory_space<hbm>> -> memref<90x128xi32, #tpu.memory_space<hbm>>
      tpu.enqueue_dma source(%dma_start3A_19 : memref<90x128xi32, #tpu.memory_space<hbm>>) target(%arg6 : memref<90x128xi32, #tpu.memory_space<vmem>>) target_semaphore(%run_scoped3A : memref<!tpu.dma_semaphore, #tpu.memory_space<semaphore_mem>>)
      %dma_wait3A = arith.constant 0 : i32
      %dma_wait3A_20 = tpu.memref_slice %arg2[%arg1, %mul3A_2, %dma_wait3A] : memref<16x180x128xi32, #tpu.memory_space<hbm>> -> memref<1x90x128xi32, #tpu.memory_space<hbm>>
      %dma_wait3A_21 = tpu.memref_squeeze %dma_wait3A_20 : memref<1x90x128xi32, #tpu.memory_space<hbm>> -> memref<90x128xi32, #tpu.memory_space<hbm>>
      %dma_wait3A_22 = arith.constant 0 : i32
      %dma_wait3A_23 = tpu.memref_slice %arg2[%arg1, %mul3A_2, %dma_wait3A_22] : memref<16x180x128xi32, #tpu.memory_space<hbm>> -> memref<1x90x128xi32, #tpu.memory_space<hbm>>
      %dma_wait3A_24 = tpu.memref_squeeze %dma_wait3A_23 : memref<1x90x128xi32, #tpu.memory_space<hbm>> -> memref<90x128xi32, #tpu.memory_space<hbm>>
      tpu.wait_dma2 semaphore(%run_scoped3A : memref<!tpu.dma_semaphore, #tpu.memory_space<semaphore_mem>>) src(%dma_wait3A_24 : memref<90x128xi32, #tpu.memory_space<hbm>>) dst(%arg6 : memref<90x128xi32, #tpu.memory_space<vmem>>)
      tpu.yield
    }) : () -> ()
    %barrier3A = arith.constant 0 : index
    tpu.barrier barrier_id(%barrier3A)
    %eq3A = arith.constant 0 : i32
    %eq3A_3 = arith.cmpi eq, %arg0, %eq3A : i32
    %jit3A = arith.constant 90 : i32
    %jit3A_4 = arith.constant 70 : i32
    %select_n3A = arith.select %eq3A_3, %jit3A, %jit3A_4 : i32
    %while3A = arith.constant 0 : i32
    %while3A_5 = arith.constant 0 : i32
    %while3A_6 = arith.subi %select_n3A, %while3A_5 : i32
    %while3A_7 = arith.addi %while3A_5, %while3A_6 : i32
    %while3A_8 = arith.constant 1 : i32
    %while3A_9 = arith.divsi %while3A_6, %while3A_8 : i32
    %while3A_10 = arith.muli %while3A_9, %while3A_8 : i32
    %while3A_11 = arith.addi %while3A_5, %while3A_10 : i32
    %while3A_12 = arith.constant 1 : i32
    scf.for %while3A_15 = %while3A_5 to %while3A_11 step %while3A_12  : i32 {
      "tpu.region"() ({
        %run_scoped3A = tpu.sem_alloc : memref<!tpu.dma_semaphore, #tpu.memory_space<semaphore_mem>>
        %dma_start3A = arith.constant 0 : i32
        %dma_start3A_16 = tpu.memref_slice %arg6[%while3A_15, %dma_start3A] : memref<90x128xi32, #tpu.memory_space<vmem>> -> memref<1x128xi32, #tpu.memory_space<vmem>>
        %dma_start3A_17 = tpu.memref_squeeze %dma_start3A_16 : memref<1x128xi32, #tpu.memory_space<vmem>> -> memref<128xi32, #tpu.memory_space<vmem>>
        %dma_start3A_18 = arith.constant 0 : i32
        %dma_start3A_19 = arith.constant 0 : i32
        %dma_start3A_20 = tpu.memref_slice %arg8[%dma_start3A_18, %dma_start3A_19] : memref<10048x16xf32, #tpu.memory_space<vmem_shared>> -> memref<10048x16xf32, #tpu.memory_space<vmem_shared>>
        tpu.enqueue_indirect_dma source(%arg7 : memref<128x16xf32, #tpu.memory_space<vmem>>) target(%dma_start3A_20 : memref<10048x16xf32, #tpu.memory_space<vmem_shared>>) offsets(%dma_start3A_17 : memref<128xi32, #tpu.memory_space<vmem>>) semaphore(%run_scoped3A : memref<!tpu.dma_semaphore, #tpu.memory_space<semaphore_mem>>) {add = true}
        %dma_wait3A = arith.constant 0 : i32
        %dma_wait3A_21 = tpu.memref_slice %arg6[%while3A_15, %dma_wait3A] : memref<90x128xi32, #tpu.memory_space<vmem>> -> memref<1x128xi32, #tpu.memory_space<vmem>>
        %dma_wait3A_22 = tpu.memref_squeeze %dma_wait3A_21 : memref<1x128xi32, #tpu.memory_space<vmem>> -> memref<128xi32, #tpu.memory_space<vmem>>
        %dma_wait3A_23 = arith.constant 0 : i32
        %dma_wait3A_24 = arith.constant 0 : i32
        %dma_wait3A_25 = tpu.memref_slice %arg8[%dma_wait3A_23, %dma_wait3A_24] : memref<10048x16xf32, #tpu.memory_space<vmem_shared>> -> memref<10048x16xf32, #tpu.memory_space<vmem_shared>>
        tpu.wait_indirect_dma semaphore(%run_scoped3A : memref<!tpu.dma_semaphore, #tpu.memory_space<semaphore_mem>>) src(%arg7 : memref<128x16xf32, #tpu.memory_space<vmem>>) dst(%dma_wait3A_25 : memref<10048x16xf32, #tpu.memory_space<vmem_shared>>)
        tpu.yield
      }) : () -> ()
    }
    %while3A_13 = arith.constant 1 : i32
    scf.for %while3A_15 = %while3A_11 to %while3A_7 step %while3A_13  : i32 {
      "tpu.region"() ({
        %run_scoped3A = tpu.sem_alloc : memref<!tpu.dma_semaphore, #tpu.memory_space<semaphore_mem>>
        %dma_start3A = arith.constant 0 : i32
        %dma_start3A_16 = tpu.memref_slice %arg6[%while3A_15, %dma_start3A] : memref<90x128xi32, #tpu.memory_space<vmem>> -> memref<1x128xi32, #tpu.memory_space<vmem>>
        %dma_start3A_17 = tpu.memref_squeeze %dma_start3A_16 : memref<1x128xi32, #tpu.memory_space<vmem>> -> memref<128xi32, #tpu.memory_space<vmem>>
        %dma_start3A_18 = arith.constant 0 : i32
        %dma_start3A_19 = arith.constant 0 : i32
        %dma_start3A_20 = tpu.memref_slice %arg8[%dma_start3A_18, %dma_start3A_19] : memref<10048x16xf32, #tpu.memory_space<vmem_shared>> -> memref<10048x16xf32, #tpu.memory_space<vmem_shared>>
        tpu.enqueue_indirect_dma source(%arg7 : memref<128x16xf32, #tpu.memory_space<vmem>>) target(%dma_start3A_20 : memref<10048x16xf32, #tpu.memory_space<vmem_shared>>) offsets(%dma_start3A_17 : memref<128xi32, #tpu.memory_space<vmem>>) semaphore(%run_scoped3A : memref<!tpu.dma_semaphore, #tpu.memory_space<semaphore_mem>>) {add = true}
        %dma_wait3A = arith.constant 0 : i32
        %dma_wait3A_21 = tpu.memref_slice %arg6[%while3A_15, %dma_wait3A] : memref<90x128xi32, #tpu.memory_space<vmem>> -> memref<1x128xi32, #tpu.memory_space<vmem>>
        %dma_wait3A_22 = tpu.memref_squeeze %dma_wait3A_21 : memref<1x128xi32, #tpu.memory_space<vmem>> -> memref<128xi32, #tpu.memory_space<vmem>>
        %dma_wait3A_23 = arith.constant 0 : i32
        %dma_wait3A_24 = arith.constant 0 : i32
        %dma_wait3A_25 = tpu.memref_slice %arg8[%dma_wait3A_23, %dma_wait3A_24] : memref<10048x16xf32, #tpu.memory_space<vmem_shared>> -> memref<10048x16xf32, #tpu.memory_space<vmem_shared>>
        tpu.wait_indirect_dma semaphore(%run_scoped3A : memref<!tpu.dma_semaphore, #tpu.memory_space<semaphore_mem>>) src(%arg7 : memref<128x16xf32, #tpu.memory_space<vmem>>) dst(%dma_wait3A_25 : memref<10048x16xf32, #tpu.memory_space<vmem_shared>>)
        tpu.yield
      }) : () -> ()
    }
    %barrier3A_14 = arith.constant 0 : index
    tpu.barrier barrier_id(%barrier3A_14)
    "tpu.region"() ({
      %run_scoped3A = tpu.sem_alloc : memref<!tpu.dma_semaphore, #tpu.memory_space<semaphore_mem>>
      %dma_start3A = arith.constant 0 : i32
      %dma_start3A_15 = tpu.memref_slice %arg5[%arg0, %mul3A_0, %dma_start3A] : memref<2x10048x16xf32, #tpu.memory_space<hbm>> -> memref<1x628x16xf32, #tpu.memory_space<hbm>>
      %dma_start3A_16 = tpu.memref_squeeze %dma_start3A_15 : memref<1x628x16xf32, #tpu.memory_space<hbm>> -> memref<628x16xf32, #tpu.memory_space<hbm>>
      %dma_start3A_17 = arith.constant 0 : i32
      %dma_start3A_18 = tpu.memref_slice %arg8[%mul3A_0, %dma_start3A_17] : memref<10048x16xf32, #tpu.memory_space<vmem_shared>> -> memref<628x16xf32, #tpu.memory_space<vmem_shared>>
      tpu.enqueue_dma source(%dma_start3A_18 : memref<628x16xf32, #tpu.memory_space<vmem_shared>>) target(%dma_start3A_16 : memref<628x16xf32, #tpu.memory_space<hbm>>) target_semaphore(%run_scoped3A : memref<!tpu.dma_semaphore, #tpu.memory_space<semaphore_mem>>)
      %dma_wait3A = arith.constant 0 : i32
      %dma_wait3A_19 = tpu.memref_slice %arg5[%arg0, %mul3A_0, %dma_wait3A] : memref<2x10048x16xf32, #tpu.memory_space<hbm>> -> memref<1x628x16xf32, #tpu.memory_space<hbm>>
      %dma_wait3A_20 = tpu.memref_squeeze %dma_wait3A_19 : memref<1x628x16xf32, #tpu.memory_space<hbm>> -> memref<628x16xf32, #tpu.memory_space<hbm>>
      %dma_wait3A_21 = arith.constant 0 : i32
      %dma_wait3A_22 = tpu.memref_slice %arg8[%mul3A_0, %dma_wait3A_21] : memref<10048x16xf32, #tpu.memory_space<vmem_shared>> -> memref<628x16xf32, #tpu.memory_space<vmem_shared>>
      tpu.wait_dma2 semaphore(%run_scoped3A : memref<!tpu.dma_semaphore, #tpu.memory_space<semaphore_mem>>) src(%dma_wait3A_22 : memref<628x16xf32, #tpu.memory_space<vmem_shared>>) dst(%dma_wait3A_20 : memref<628x16xf32, #tpu.memory_space<hbm>>)
      tpu.yield
    }) : () -> ()
    return
  }
}

#map = affine_map<(d0, d1) -> (0, 0)>
#map1 = affine_map<(d0, d1) -> (0, 0, 0)>
module attributes {stable_mosaic.version = 14 : i64} {
  func.func @agg(%arg0: i32, %arg1: i32, %arg2: memref<10000x64xf32, #tpu.memory_space<hbm>>, %arg3: memref<16x180x128xi32, #tpu.memory_space<hbm>>, %arg4: memref<16x180x128xi32, #tpu.memory_space<hbm>>, %arg5: memref<628x64xf32, #tpu.memory_space<hbm>>, %arg6: memref<2x10048x64xf32, #tpu.memory_space<hbm>>, %arg7: memref<90x128xi32, #tpu.memory_space<vmem>>, %arg8: memref<90x128xi32, #tpu.memory_space<vmem>>, %arg9: memref<128x64xf32, #tpu.memory_space<vmem>>, %arg10: memref<128x64xf32, #tpu.memory_space<vmem>>, %arg11: memref<10048x64xf32, #tpu.memory_space<vmem_shared>>, %arg12: memref<10000x64xf32, #tpu.memory_space<vmem_shared>>, %arg13: memref<!tpu.dma_semaphore, #tpu.memory_space<semaphore_mem>>) attributes {dimension_semantics = [#tpu.dimension_semantics<core_parallel>, #tpu.dimension_semantics<subcore_parallel>], iteration_bounds = array<i64: 2, 16>, scalar_prefetch = 0 : i64, scratch_operands = 7 : i64, tpu.core_type = #tpu.core_type<sc_vector_subcore>, window_params = [{transform_indices = #map}, {transform_indices = #map1}, {transform_indices = #map1}, {transform_indices = #map}, {transform_indices = #map1}]} {
    %mul3A = arith.constant 628 : i32
    %mul3A_0 = arith.muli %arg1, %mul3A : i32
    "tpu.region"() ({
      %run_scoped3A = tpu.sem_alloc : memref<!tpu.dma_semaphore, #tpu.memory_space<semaphore_mem>>
      %dma_start3A = arith.constant 0 : i32
      %dma_start3A_21 = tpu.memref_slice %arg11[%mul3A_0, %dma_start3A] : memref<10048x64xf32, #tpu.memory_space<vmem_shared>> -> memref<628x64xf32, #tpu.memory_space<vmem_shared>>
      tpu.enqueue_dma source(%arg5 : memref<628x64xf32, #tpu.memory_space<hbm>>) target(%dma_start3A_21 : memref<628x64xf32, #tpu.memory_space<vmem_shared>>) target_semaphore(%run_scoped3A : memref<!tpu.dma_semaphore, #tpu.memory_space<semaphore_mem>>)
      %dma_wait3A = arith.constant 0 : i32
      %dma_wait3A_22 = tpu.memref_slice %arg11[%mul3A_0, %dma_wait3A] : memref<10048x64xf32, #tpu.memory_space<vmem_shared>> -> memref<628x64xf32, #tpu.memory_space<vmem_shared>>
      tpu.wait_dma2 semaphore(%run_scoped3A : memref<!tpu.dma_semaphore, #tpu.memory_space<semaphore_mem>>) src(%arg5 : memref<628x64xf32, #tpu.memory_space<hbm>>) dst(%dma_wait3A_22 : memref<628x64xf32, #tpu.memory_space<vmem_shared>>)
      tpu.yield
    }) : () -> ()
    %mul3A_1 = arith.constant 625 : i32
    %mul3A_2 = arith.muli %arg1, %mul3A_1 : i32
    %mul3A_3 = arith.constant 625 : i32
    %mul3A_4 = arith.muli %arg1, %mul3A_3 : i32
    "tpu.region"() ({
      %run_scoped3A = tpu.sem_alloc : memref<!tpu.dma_semaphore, #tpu.memory_space<semaphore_mem>>
      %dma_start3A = arith.constant 0 : i32
      %dma_start3A_21 = tpu.memref_slice %arg12[%mul3A_4, %dma_start3A] : memref<10000x64xf32, #tpu.memory_space<vmem_shared>> -> memref<625x64xf32, #tpu.memory_space<vmem_shared>>
      %dma_start3A_22 = arith.constant 0 : i32
      %dma_start3A_23 = tpu.memref_slice %arg2[%mul3A_2, %dma_start3A_22] : memref<10000x64xf32, #tpu.memory_space<hbm>> -> memref<625x64xf32, #tpu.memory_space<hbm>>
      tpu.enqueue_dma source(%dma_start3A_23 : memref<625x64xf32, #tpu.memory_space<hbm>>) target(%dma_start3A_21 : memref<625x64xf32, #tpu.memory_space<vmem_shared>>) target_semaphore(%run_scoped3A : memref<!tpu.dma_semaphore, #tpu.memory_space<semaphore_mem>>)
      %dma_wait3A = arith.constant 0 : i32
      %dma_wait3A_24 = tpu.memref_slice %arg12[%mul3A_4, %dma_wait3A] : memref<10000x64xf32, #tpu.memory_space<vmem_shared>> -> memref<625x64xf32, #tpu.memory_space<vmem_shared>>
      %dma_wait3A_25 = arith.constant 0 : i32
      %dma_wait3A_26 = tpu.memref_slice %arg2[%mul3A_2, %dma_wait3A_25] : memref<10000x64xf32, #tpu.memory_space<hbm>> -> memref<625x64xf32, #tpu.memory_space<hbm>>
      tpu.wait_dma2 semaphore(%run_scoped3A : memref<!tpu.dma_semaphore, #tpu.memory_space<semaphore_mem>>) src(%dma_wait3A_26 : memref<625x64xf32, #tpu.memory_space<hbm>>) dst(%dma_wait3A_24 : memref<625x64xf32, #tpu.memory_space<vmem_shared>>)
      tpu.yield
    }) : () -> ()
    %mul3A_5 = arith.constant 90 : i32
    %mul3A_6 = arith.muli %arg0, %mul3A_5 : i32
    "tpu.region"() ({
      %run_scoped3A = tpu.sem_alloc : memref<!tpu.dma_semaphore, #tpu.memory_space<semaphore_mem>>
      %dma_start3A = arith.constant 0 : i32
      %dma_start3A_21 = tpu.memref_slice %arg3[%arg1, %mul3A_6, %dma_start3A] : memref<16x180x128xi32, #tpu.memory_space<hbm>> -> memref<1x90x128xi32, #tpu.memory_space<hbm>>
      %dma_start3A_22 = tpu.memref_squeeze %dma_start3A_21 : memref<1x90x128xi32, #tpu.memory_space<hbm>> -> memref<90x128xi32, #tpu.memory_space<hbm>>
      %dma_start3A_23 = arith.constant 0 : i32
      %dma_start3A_24 = tpu.memref_slice %arg3[%arg1, %mul3A_6, %dma_start3A_23] : memref<16x180x128xi32, #tpu.memory_space<hbm>> -> memref<1x90x128xi32, #tpu.memory_space<hbm>>
      %dma_start3A_25 = tpu.memref_squeeze %dma_start3A_24 : memref<1x90x128xi32, #tpu.memory_space<hbm>> -> memref<90x128xi32, #tpu.memory_space<hbm>>
      tpu.enqueue_dma source(%dma_start3A_25 : memref<90x128xi32, #tpu.memory_space<hbm>>) target(%arg7 : memref<90x128xi32, #tpu.memory_space<vmem>>) target_semaphore(%run_scoped3A : memref<!tpu.dma_semaphore, #tpu.memory_space<semaphore_mem>>)
      %dma_wait3A = arith.constant 0 : i32
      %dma_wait3A_26 = tpu.memref_slice %arg3[%arg1, %mul3A_6, %dma_wait3A] : memref<16x180x128xi32, #tpu.memory_space<hbm>> -> memref<1x90x128xi32, #tpu.memory_space<hbm>>
      %dma_wait3A_27 = tpu.memref_squeeze %dma_wait3A_26 : memref<1x90x128xi32, #tpu.memory_space<hbm>> -> memref<90x128xi32, #tpu.memory_space<hbm>>
      %dma_wait3A_28 = arith.constant 0 : i32
      %dma_wait3A_29 = tpu.memref_slice %arg3[%arg1, %mul3A_6, %dma_wait3A_28] : memref<16x180x128xi32, #tpu.memory_space<hbm>> -> memref<1x90x128xi32, #tpu.memory_space<hbm>>
      %dma_wait3A_30 = tpu.memref_squeeze %dma_wait3A_29 : memref<1x90x128xi32, #tpu.memory_space<hbm>> -> memref<90x128xi32, #tpu.memory_space<hbm>>
      tpu.wait_dma2 semaphore(%run_scoped3A : memref<!tpu.dma_semaphore, #tpu.memory_space<semaphore_mem>>) src(%dma_wait3A_30 : memref<90x128xi32, #tpu.memory_space<hbm>>) dst(%arg7 : memref<90x128xi32, #tpu.memory_space<vmem>>)
      tpu.yield
    }) : () -> ()
    %mul3A_7 = arith.constant 90 : i32
    %mul3A_8 = arith.muli %arg0, %mul3A_7 : i32
    "tpu.region"() ({
      %run_scoped3A = tpu.sem_alloc : memref<!tpu.dma_semaphore, #tpu.memory_space<semaphore_mem>>
      %dma_start3A = arith.constant 0 : i32
      %dma_start3A_21 = tpu.memref_slice %arg4[%arg1, %mul3A_8, %dma_start3A] : memref<16x180x128xi32, #tpu.memory_space<hbm>> -> memref<1x90x128xi32, #tpu.memory_space<hbm>>
      %dma_start3A_22 = tpu.memref_squeeze %dma_start3A_21 : memref<1x90x128xi32, #tpu.memory_space<hbm>> -> memref<90x128xi32, #tpu.memory_space<hbm>>
      %dma_start3A_23 = arith.constant 0 : i32
      %dma_start3A_24 = tpu.memref_slice %arg4[%arg1, %mul3A_8, %dma_start3A_23] : memref<16x180x128xi32, #tpu.memory_space<hbm>> -> memref<1x90x128xi32, #tpu.memory_space<hbm>>
      %dma_start3A_25 = tpu.memref_squeeze %dma_start3A_24 : memref<1x90x128xi32, #tpu.memory_space<hbm>> -> memref<90x128xi32, #tpu.memory_space<hbm>>
      tpu.enqueue_dma source(%dma_start3A_25 : memref<90x128xi32, #tpu.memory_space<hbm>>) target(%arg8 : memref<90x128xi32, #tpu.memory_space<vmem>>) target_semaphore(%run_scoped3A : memref<!tpu.dma_semaphore, #tpu.memory_space<semaphore_mem>>)
      %dma_wait3A = arith.constant 0 : i32
      %dma_wait3A_26 = tpu.memref_slice %arg4[%arg1, %mul3A_8, %dma_wait3A] : memref<16x180x128xi32, #tpu.memory_space<hbm>> -> memref<1x90x128xi32, #tpu.memory_space<hbm>>
      %dma_wait3A_27 = tpu.memref_squeeze %dma_wait3A_26 : memref<1x90x128xi32, #tpu.memory_space<hbm>> -> memref<90x128xi32, #tpu.memory_space<hbm>>
      %dma_wait3A_28 = arith.constant 0 : i32
      %dma_wait3A_29 = tpu.memref_slice %arg4[%arg1, %mul3A_8, %dma_wait3A_28] : memref<16x180x128xi32, #tpu.memory_space<hbm>> -> memref<1x90x128xi32, #tpu.memory_space<hbm>>
      %dma_wait3A_30 = tpu.memref_squeeze %dma_wait3A_29 : memref<1x90x128xi32, #tpu.memory_space<hbm>> -> memref<90x128xi32, #tpu.memory_space<hbm>>
      tpu.wait_dma2 semaphore(%run_scoped3A : memref<!tpu.dma_semaphore, #tpu.memory_space<semaphore_mem>>) src(%dma_wait3A_30 : memref<90x128xi32, #tpu.memory_space<hbm>>) dst(%arg8 : memref<90x128xi32, #tpu.memory_space<vmem>>)
      tpu.yield
    }) : () -> ()
    %barrier3A = arith.constant 0 : index
    tpu.barrier barrier_id(%barrier3A)
    %eq3A = arith.constant 0 : i32
    %eq3A_9 = arith.cmpi eq, %arg0, %eq3A : i32
    %jit3A = arith.constant 45 : i32
    %jit3A_10 = arith.constant 35 : i32
    %select_n3A = arith.select %eq3A_9, %jit3A, %jit3A_10 : i32
    %while3A = arith.constant 0 : i32
    %while3A_11 = arith.constant 0 : i32
    %while3A_12 = arith.subi %select_n3A, %while3A_11 : i32
    %while3A_13 = arith.addi %while3A_11, %while3A_12 : i32
    %while3A_14 = arith.constant 1 : i32
    %while3A_15 = arith.divsi %while3A_12, %while3A_14 : i32
    %while3A_16 = arith.muli %while3A_15, %while3A_14 : i32
    %while3A_17 = arith.addi %while3A_11, %while3A_16 : i32
    %while3A_18 = arith.constant 1 : i32
    scf.for %while3A_21 = %while3A_11 to %while3A_17 step %while3A_18  : i32 {
      %mul3A_22 = arith.constant 2 : i32
      %mul3A_23 = arith.muli %mul3A_22, %while3A_21 : i32
      %mul3A_24 = arith.constant 2 : i32
      %mul3A_25 = arith.muli %mul3A_24, %while3A_21 : i32
      %add3A = arith.constant 1 : i32
      %add3A_26 = arith.addi %mul3A_25, %add3A : i32
      %dma_start3A = arith.constant 0 : i32
      %dma_start3A_27 = tpu.memref_slice %arg7[%mul3A_23, %dma_start3A] : memref<90x128xi32, #tpu.memory_space<vmem>> -> memref<1x128xi32, #tpu.memory_space<vmem>>
      %dma_start3A_28 = tpu.memref_squeeze %dma_start3A_27 : memref<1x128xi32, #tpu.memory_space<vmem>> -> memref<128xi32, #tpu.memory_space<vmem>>
      %dma_start3A_29 = arith.constant 0 : i32
      %dma_start3A_30 = arith.constant 0 : i32
      %dma_start3A_31 = tpu.memref_slice %arg12[%dma_start3A_29, %dma_start3A_30] : memref<10000x64xf32, #tpu.memory_space<vmem_shared>> -> memref<10000x64xf32, #tpu.memory_space<vmem_shared>>
      tpu.enqueue_indirect_dma source(%dma_start3A_31 : memref<10000x64xf32, #tpu.memory_space<vmem_shared>>) target(%arg9 : memref<128x64xf32, #tpu.memory_space<vmem>>) offsets(%dma_start3A_28 : memref<128xi32, #tpu.memory_space<vmem>>) semaphore(%arg13 : memref<!tpu.dma_semaphore, #tpu.memory_space<semaphore_mem>>)
      %dma_start3A_32 = arith.constant 0 : i32
      %dma_start3A_33 = tpu.memref_slice %arg7[%add3A_26, %dma_start3A_32] : memref<90x128xi32, #tpu.memory_space<vmem>> -> memref<1x128xi32, #tpu.memory_space<vmem>>
      %dma_start3A_34 = tpu.memref_squeeze %dma_start3A_33 : memref<1x128xi32, #tpu.memory_space<vmem>> -> memref<128xi32, #tpu.memory_space<vmem>>
      %dma_start3A_35 = arith.constant 0 : i32
      %dma_start3A_36 = arith.constant 0 : i32
      %dma_start3A_37 = tpu.memref_slice %arg12[%dma_start3A_35, %dma_start3A_36] : memref<10000x64xf32, #tpu.memory_space<vmem_shared>> -> memref<10000x64xf32, #tpu.memory_space<vmem_shared>>
      tpu.enqueue_indirect_dma source(%dma_start3A_37 : memref<10000x64xf32, #tpu.memory_space<vmem_shared>>) target(%arg10 : memref<128x64xf32, #tpu.memory_space<vmem>>) offsets(%dma_start3A_34 : memref<128xi32, #tpu.memory_space<vmem>>) semaphore(%arg13 : memref<!tpu.dma_semaphore, #tpu.memory_space<semaphore_mem>>)
      %dma_wait3A = arith.constant 0 : i32
      %dma_wait3A_38 = tpu.memref_slice %arg7[%mul3A_23, %dma_wait3A] : memref<90x128xi32, #tpu.memory_space<vmem>> -> memref<1x128xi32, #tpu.memory_space<vmem>>
      %dma_wait3A_39 = tpu.memref_squeeze %dma_wait3A_38 : memref<1x128xi32, #tpu.memory_space<vmem>> -> memref<128xi32, #tpu.memory_space<vmem>>
      %dma_wait3A_40 = arith.constant 0 : i32
      %dma_wait3A_41 = arith.constant 0 : i32
      %dma_wait3A_42 = tpu.memref_slice %arg12[%dma_wait3A_40, %dma_wait3A_41] : memref<10000x64xf32, #tpu.memory_space<vmem_shared>> -> memref<10000x64xf32, #tpu.memory_space<vmem_shared>>
      tpu.wait_indirect_dma semaphore(%arg13 : memref<!tpu.dma_semaphore, #tpu.memory_space<semaphore_mem>>) src(%dma_wait3A_42 : memref<10000x64xf32, #tpu.memory_space<vmem_shared>>) dst(%arg9 : memref<128x64xf32, #tpu.memory_space<vmem>>)
      "tpu.region"() ({
        %run_scoped3A = tpu.sem_alloc : memref<!tpu.dma_semaphore, #tpu.memory_space<semaphore_mem>>
        %dma_start3A_49 = arith.constant 0 : i32
        %dma_start3A_50 = tpu.memref_slice %arg8[%mul3A_23, %dma_start3A_49] : memref<90x128xi32, #tpu.memory_space<vmem>> -> memref<1x128xi32, #tpu.memory_space<vmem>>
        %dma_start3A_51 = tpu.memref_squeeze %dma_start3A_50 : memref<1x128xi32, #tpu.memory_space<vmem>> -> memref<128xi32, #tpu.memory_space<vmem>>
        %dma_start3A_52 = arith.constant 0 : i32
        %dma_start3A_53 = arith.constant 0 : i32
        %dma_start3A_54 = tpu.memref_slice %arg11[%dma_start3A_52, %dma_start3A_53] : memref<10048x64xf32, #tpu.memory_space<vmem_shared>> -> memref<10048x64xf32, #tpu.memory_space<vmem_shared>>
        tpu.enqueue_indirect_dma source(%arg9 : memref<128x64xf32, #tpu.memory_space<vmem>>) target(%dma_start3A_54 : memref<10048x64xf32, #tpu.memory_space<vmem_shared>>) offsets(%dma_start3A_51 : memref<128xi32, #tpu.memory_space<vmem>>) semaphore(%run_scoped3A : memref<!tpu.dma_semaphore, #tpu.memory_space<semaphore_mem>>) {add = true}
        %dma_wait3A_55 = arith.constant 0 : i32
        %dma_wait3A_56 = tpu.memref_slice %arg8[%mul3A_23, %dma_wait3A_55] : memref<90x128xi32, #tpu.memory_space<vmem>> -> memref<1x128xi32, #tpu.memory_space<vmem>>
        %dma_wait3A_57 = tpu.memref_squeeze %dma_wait3A_56 : memref<1x128xi32, #tpu.memory_space<vmem>> -> memref<128xi32, #tpu.memory_space<vmem>>
        %dma_wait3A_58 = arith.constant 0 : i32
        %dma_wait3A_59 = arith.constant 0 : i32
        %dma_wait3A_60 = tpu.memref_slice %arg11[%dma_wait3A_58, %dma_wait3A_59] : memref<10048x64xf32, #tpu.memory_space<vmem_shared>> -> memref<10048x64xf32, #tpu.memory_space<vmem_shared>>
        tpu.wait_indirect_dma semaphore(%run_scoped3A : memref<!tpu.dma_semaphore, #tpu.memory_space<semaphore_mem>>) src(%arg9 : memref<128x64xf32, #tpu.memory_space<vmem>>) dst(%dma_wait3A_60 : memref<10048x64xf32, #tpu.memory_space<vmem_shared>>)
        tpu.yield
      }) : () -> ()
      %dma_wait3A_43 = arith.constant 0 : i32
      %dma_wait3A_44 = tpu.memref_slice %arg7[%add3A_26, %dma_wait3A_43] : memref<90x128xi32, #tpu.memory_space<vmem>> -> memref<1x128xi32, #tpu.memory_space<vmem>>
      %dma_wait3A_45 = tpu.memref_squeeze %dma_wait3A_44 : memref<1x128xi32, #tpu.memory_space<vmem>> -> memref<128xi32, #tpu.memory_space<vmem>>
      %dma_wait3A_46 = arith.constant 0 : i32
      %dma_wait3A_47 = arith.constant 0 : i32
      %dma_wait3A_48 = tpu.memref_slice %arg12[%dma_wait3A_46, %dma_wait3A_47] : memref<10000x64xf32, #tpu.memory_space<vmem_shared>> -> memref<10000x64xf32, #tpu.memory_space<vmem_shared>>
      tpu.wait_indirect_dma semaphore(%arg13 : memref<!tpu.dma_semaphore, #tpu.memory_space<semaphore_mem>>) src(%dma_wait3A_48 : memref<10000x64xf32, #tpu.memory_space<vmem_shared>>) dst(%arg10 : memref<128x64xf32, #tpu.memory_space<vmem>>)
      "tpu.region"() ({
        %run_scoped3A = tpu.sem_alloc : memref<!tpu.dma_semaphore, #tpu.memory_space<semaphore_mem>>
        %dma_start3A_49 = arith.constant 0 : i32
        %dma_start3A_50 = tpu.memref_slice %arg8[%add3A_26, %dma_start3A_49] : memref<90x128xi32, #tpu.memory_space<vmem>> -> memref<1x128xi32, #tpu.memory_space<vmem>>
        %dma_start3A_51 = tpu.memref_squeeze %dma_start3A_50 : memref<1x128xi32, #tpu.memory_space<vmem>> -> memref<128xi32, #tpu.memory_space<vmem>>
        %dma_start3A_52 = arith.constant 0 : i32
        %dma_start3A_53 = arith.constant 0 : i32
        %dma_start3A_54 = tpu.memref_slice %arg11[%dma_start3A_52, %dma_start3A_53] : memref<10048x64xf32, #tpu.memory_space<vmem_shared>> -> memref<10048x64xf32, #tpu.memory_space<vmem_shared>>
        tpu.enqueue_indirect_dma source(%arg10 : memref<128x64xf32, #tpu.memory_space<vmem>>) target(%dma_start3A_54 : memref<10048x64xf32, #tpu.memory_space<vmem_shared>>) offsets(%dma_start3A_51 : memref<128xi32, #tpu.memory_space<vmem>>) semaphore(%run_scoped3A : memref<!tpu.dma_semaphore, #tpu.memory_space<semaphore_mem>>) {add = true}
        %dma_wait3A_55 = arith.constant 0 : i32
        %dma_wait3A_56 = tpu.memref_slice %arg8[%add3A_26, %dma_wait3A_55] : memref<90x128xi32, #tpu.memory_space<vmem>> -> memref<1x128xi32, #tpu.memory_space<vmem>>
        %dma_wait3A_57 = tpu.memref_squeeze %dma_wait3A_56 : memref<1x128xi32, #tpu.memory_space<vmem>> -> memref<128xi32, #tpu.memory_space<vmem>>
        %dma_wait3A_58 = arith.constant 0 : i32
        %dma_wait3A_59 = arith.constant 0 : i32
        %dma_wait3A_60 = tpu.memref_slice %arg11[%dma_wait3A_58, %dma_wait3A_59] : memref<10048x64xf32, #tpu.memory_space<vmem_shared>> -> memref<10048x64xf32, #tpu.memory_space<vmem_shared>>
        tpu.wait_indirect_dma semaphore(%run_scoped3A : memref<!tpu.dma_semaphore, #tpu.memory_space<semaphore_mem>>) src(%arg10 : memref<128x64xf32, #tpu.memory_space<vmem>>) dst(%dma_wait3A_60 : memref<10048x64xf32, #tpu.memory_space<vmem_shared>>)
        tpu.yield
      }) : () -> ()
    }
    %while3A_19 = arith.constant 1 : i32
    scf.for %while3A_21 = %while3A_17 to %while3A_13 step %while3A_19  : i32 {
      %mul3A_22 = arith.constant 2 : i32
      %mul3A_23 = arith.muli %mul3A_22, %while3A_21 : i32
      %mul3A_24 = arith.constant 2 : i32
      %mul3A_25 = arith.muli %mul3A_24, %while3A_21 : i32
      %add3A = arith.constant 1 : i32
      %add3A_26 = arith.addi %mul3A_25, %add3A : i32
      %dma_start3A = arith.constant 0 : i32
      %dma_start3A_27 = tpu.memref_slice %arg7[%mul3A_23, %dma_start3A] : memref<90x128xi32, #tpu.memory_space<vmem>> -> memref<1x128xi32, #tpu.memory_space<vmem>>
      %dma_start3A_28 = tpu.memref_squeeze %dma_start3A_27 : memref<1x128xi32, #tpu.memory_space<vmem>> -> memref<128xi32, #tpu.memory_space<vmem>>
      %dma_start3A_29 = arith.constant 0 : i32
      %dma_start3A_30 = arith.constant 0 : i32
      %dma_start3A_31 = tpu.memref_slice %arg12[%dma_start3A_29, %dma_start3A_30] : memref<10000x64xf32, #tpu.memory_space<vmem_shared>> -> memref<10000x64xf32, #tpu.memory_space<vmem_shared>>
      tpu.enqueue_indirect_dma source(%dma_start3A_31 : memref<10000x64xf32, #tpu.memory_space<vmem_shared>>) target(%arg9 : memref<128x64xf32, #tpu.memory_space<vmem>>) offsets(%dma_start3A_28 : memref<128xi32, #tpu.memory_space<vmem>>) semaphore(%arg13 : memref<!tpu.dma_semaphore, #tpu.memory_space<semaphore_mem>>)
      %dma_start3A_32 = arith.constant 0 : i32
      %dma_start3A_33 = tpu.memref_slice %arg7[%add3A_26, %dma_start3A_32] : memref<90x128xi32, #tpu.memory_space<vmem>> -> memref<1x128xi32, #tpu.memory_space<vmem>>
      %dma_start3A_34 = tpu.memref_squeeze %dma_start3A_33 : memref<1x128xi32, #tpu.memory_space<vmem>> -> memref<128xi32, #tpu.memory_space<vmem>>
      %dma_start3A_35 = arith.constant 0 : i32
      %dma_start3A_36 = arith.constant 0 : i32
      %dma_start3A_37 = tpu.memref_slice %arg12[%dma_start3A_35, %dma_start3A_36] : memref<10000x64xf32, #tpu.memory_space<vmem_shared>> -> memref<10000x64xf32, #tpu.memory_space<vmem_shared>>
      tpu.enqueue_indirect_dma source(%dma_start3A_37 : memref<10000x64xf32, #tpu.memory_space<vmem_shared>>) target(%arg10 : memref<128x64xf32, #tpu.memory_space<vmem>>) offsets(%dma_start3A_34 : memref<128xi32, #tpu.memory_space<vmem>>) semaphore(%arg13 : memref<!tpu.dma_semaphore, #tpu.memory_space<semaphore_mem>>)
      %dma_wait3A = arith.constant 0 : i32
      %dma_wait3A_38 = tpu.memref_slice %arg7[%mul3A_23, %dma_wait3A] : memref<90x128xi32, #tpu.memory_space<vmem>> -> memref<1x128xi32, #tpu.memory_space<vmem>>
      %dma_wait3A_39 = tpu.memref_squeeze %dma_wait3A_38 : memref<1x128xi32, #tpu.memory_space<vmem>> -> memref<128xi32, #tpu.memory_space<vmem>>
      %dma_wait3A_40 = arith.constant 0 : i32
      %dma_wait3A_41 = arith.constant 0 : i32
      %dma_wait3A_42 = tpu.memref_slice %arg12[%dma_wait3A_40, %dma_wait3A_41] : memref<10000x64xf32, #tpu.memory_space<vmem_shared>> -> memref<10000x64xf32, #tpu.memory_space<vmem_shared>>
      tpu.wait_indirect_dma semaphore(%arg13 : memref<!tpu.dma_semaphore, #tpu.memory_space<semaphore_mem>>) src(%dma_wait3A_42 : memref<10000x64xf32, #tpu.memory_space<vmem_shared>>) dst(%arg9 : memref<128x64xf32, #tpu.memory_space<vmem>>)
      "tpu.region"() ({
        %run_scoped3A = tpu.sem_alloc : memref<!tpu.dma_semaphore, #tpu.memory_space<semaphore_mem>>
        %dma_start3A_49 = arith.constant 0 : i32
        %dma_start3A_50 = tpu.memref_slice %arg8[%mul3A_23, %dma_start3A_49] : memref<90x128xi32, #tpu.memory_space<vmem>> -> memref<1x128xi32, #tpu.memory_space<vmem>>
        %dma_start3A_51 = tpu.memref_squeeze %dma_start3A_50 : memref<1x128xi32, #tpu.memory_space<vmem>> -> memref<128xi32, #tpu.memory_space<vmem>>
        %dma_start3A_52 = arith.constant 0 : i32
        %dma_start3A_53 = arith.constant 0 : i32
        %dma_start3A_54 = tpu.memref_slice %arg11[%dma_start3A_52, %dma_start3A_53] : memref<10048x64xf32, #tpu.memory_space<vmem_shared>> -> memref<10048x64xf32, #tpu.memory_space<vmem_shared>>
        tpu.enqueue_indirect_dma source(%arg9 : memref<128x64xf32, #tpu.memory_space<vmem>>) target(%dma_start3A_54 : memref<10048x64xf32, #tpu.memory_space<vmem_shared>>) offsets(%dma_start3A_51 : memref<128xi32, #tpu.memory_space<vmem>>) semaphore(%run_scoped3A : memref<!tpu.dma_semaphore, #tpu.memory_space<semaphore_mem>>) {add = true}
        %dma_wait3A_55 = arith.constant 0 : i32
        %dma_wait3A_56 = tpu.memref_slice %arg8[%mul3A_23, %dma_wait3A_55] : memref<90x128xi32, #tpu.memory_space<vmem>> -> memref<1x128xi32, #tpu.memory_space<vmem>>
        %dma_wait3A_57 = tpu.memref_squeeze %dma_wait3A_56 : memref<1x128xi32, #tpu.memory_space<vmem>> -> memref<128xi32, #tpu.memory_space<vmem>>
        %dma_wait3A_58 = arith.constant 0 : i32
        %dma_wait3A_59 = arith.constant 0 : i32
        %dma_wait3A_60 = tpu.memref_slice %arg11[%dma_wait3A_58, %dma_wait3A_59] : memref<10048x64xf32, #tpu.memory_space<vmem_shared>> -> memref<10048x64xf32, #tpu.memory_space<vmem_shared>>
        tpu.wait_indirect_dma semaphore(%run_scoped3A : memref<!tpu.dma_semaphore, #tpu.memory_space<semaphore_mem>>) src(%arg9 : memref<128x64xf32, #tpu.memory_space<vmem>>) dst(%dma_wait3A_60 : memref<10048x64xf32, #tpu.memory_space<vmem_shared>>)
        tpu.yield
      }) : () -> ()
      %dma_wait3A_43 = arith.constant 0 : i32
      %dma_wait3A_44 = tpu.memref_slice %arg7[%add3A_26, %dma_wait3A_43] : memref<90x128xi32, #tpu.memory_space<vmem>> -> memref<1x128xi32, #tpu.memory_space<vmem>>
      %dma_wait3A_45 = tpu.memref_squeeze %dma_wait3A_44 : memref<1x128xi32, #tpu.memory_space<vmem>> -> memref<128xi32, #tpu.memory_space<vmem>>
      %dma_wait3A_46 = arith.constant 0 : i32
      %dma_wait3A_47 = arith.constant 0 : i32
      %dma_wait3A_48 = tpu.memref_slice %arg12[%dma_wait3A_46, %dma_wait3A_47] : memref<10000x64xf32, #tpu.memory_space<vmem_shared>> -> memref<10000x64xf32, #tpu.memory_space<vmem_shared>>
      tpu.wait_indirect_dma semaphore(%arg13 : memref<!tpu.dma_semaphore, #tpu.memory_space<semaphore_mem>>) src(%dma_wait3A_48 : memref<10000x64xf32, #tpu.memory_space<vmem_shared>>) dst(%arg10 : memref<128x64xf32, #tpu.memory_space<vmem>>)
      "tpu.region"() ({
        %run_scoped3A = tpu.sem_alloc : memref<!tpu.dma_semaphore, #tpu.memory_space<semaphore_mem>>
        %dma_start3A_49 = arith.constant 0 : i32
        %dma_start3A_50 = tpu.memref_slice %arg8[%add3A_26, %dma_start3A_49] : memref<90x128xi32, #tpu.memory_space<vmem>> -> memref<1x128xi32, #tpu.memory_space<vmem>>
        %dma_start3A_51 = tpu.memref_squeeze %dma_start3A_50 : memref<1x128xi32, #tpu.memory_space<vmem>> -> memref<128xi32, #tpu.memory_space<vmem>>
        %dma_start3A_52 = arith.constant 0 : i32
        %dma_start3A_53 = arith.constant 0 : i32
        %dma_start3A_54 = tpu.memref_slice %arg11[%dma_start3A_52, %dma_start3A_53] : memref<10048x64xf32, #tpu.memory_space<vmem_shared>> -> memref<10048x64xf32, #tpu.memory_space<vmem_shared>>
        tpu.enqueue_indirect_dma source(%arg10 : memref<128x64xf32, #tpu.memory_space<vmem>>) target(%dma_start3A_54 : memref<10048x64xf32, #tpu.memory_space<vmem_shared>>) offsets(%dma_start3A_51 : memref<128xi32, #tpu.memory_space<vmem>>) semaphore(%run_scoped3A : memref<!tpu.dma_semaphore, #tpu.memory_space<semaphore_mem>>) {add = true}
        %dma_wait3A_55 = arith.constant 0 : i32
        %dma_wait3A_56 = tpu.memref_slice %arg8[%add3A_26, %dma_wait3A_55] : memref<90x128xi32, #tpu.memory_space<vmem>> -> memref<1x128xi32, #tpu.memory_space<vmem>>
        %dma_wait3A_57 = tpu.memref_squeeze %dma_wait3A_56 : memref<1x128xi32, #tpu.memory_space<vmem>> -> memref<128xi32, #tpu.memory_space<vmem>>
        %dma_wait3A_58 = arith.constant 0 : i32
        %dma_wait3A_59 = arith.constant 0 : i32
        %dma_wait3A_60 = tpu.memref_slice %arg11[%dma_wait3A_58, %dma_wait3A_59] : memref<10048x64xf32, #tpu.memory_space<vmem_shared>> -> memref<10048x64xf32, #tpu.memory_space<vmem_shared>>
        tpu.wait_indirect_dma semaphore(%run_scoped3A : memref<!tpu.dma_semaphore, #tpu.memory_space<semaphore_mem>>) src(%arg10 : memref<128x64xf32, #tpu.memory_space<vmem>>) dst(%dma_wait3A_60 : memref<10048x64xf32, #tpu.memory_space<vmem_shared>>)
        tpu.yield
      }) : () -> ()
    }
    %barrier3A_20 = arith.constant 0 : index
    tpu.barrier barrier_id(%barrier3A_20)
    "tpu.region"() ({
      %run_scoped3A = tpu.sem_alloc : memref<!tpu.dma_semaphore, #tpu.memory_space<semaphore_mem>>
      %dma_start3A = arith.constant 0 : i32
      %dma_start3A_21 = tpu.memref_slice %arg6[%arg0, %mul3A_0, %dma_start3A] : memref<2x10048x64xf32, #tpu.memory_space<hbm>> -> memref<1x628x64xf32, #tpu.memory_space<hbm>>
      %dma_start3A_22 = tpu.memref_squeeze %dma_start3A_21 : memref<1x628x64xf32, #tpu.memory_space<hbm>> -> memref<628x64xf32, #tpu.memory_space<hbm>>
      %dma_start3A_23 = arith.constant 0 : i32
      %dma_start3A_24 = tpu.memref_slice %arg11[%mul3A_0, %dma_start3A_23] : memref<10048x64xf32, #tpu.memory_space<vmem_shared>> -> memref<628x64xf32, #tpu.memory_space<vmem_shared>>
      tpu.enqueue_dma source(%dma_start3A_24 : memref<628x64xf32, #tpu.memory_space<vmem_shared>>) target(%dma_start3A_22 : memref<628x64xf32, #tpu.memory_space<hbm>>) target_semaphore(%run_scoped3A : memref<!tpu.dma_semaphore, #tpu.memory_space<semaphore_mem>>)
      %dma_wait3A = arith.constant 0 : i32
      %dma_wait3A_25 = tpu.memref_slice %arg6[%arg0, %mul3A_0, %dma_wait3A] : memref<2x10048x64xf32, #tpu.memory_space<hbm>> -> memref<1x628x64xf32, #tpu.memory_space<hbm>>
      %dma_wait3A_26 = tpu.memref_squeeze %dma_wait3A_25 : memref<1x628x64xf32, #tpu.memory_space<hbm>> -> memref<628x64xf32, #tpu.memory_space<hbm>>
      %dma_wait3A_27 = arith.constant 0 : i32
      %dma_wait3A_28 = tpu.memref_slice %arg11[%mul3A_0, %dma_wait3A_27] : memref<10048x64xf32, #tpu.memory_space<vmem_shared>> -> memref<628x64xf32, #tpu.memory_space<vmem_shared>>
      tpu.wait_dma2 semaphore(%run_scoped3A : memref<!tpu.dma_semaphore, #tpu.memory_space<semaphore_mem>>) src(%dma_wait3A_28 : memref<628x64xf32, #tpu.memory_space<vmem_shared>>) dst(%dma_wait3A_26 : memref<628x64xf32, #tpu.memory_space<hbm>>)
      tpu.yield
    }) : () -> ()
    return
  }
}

#map = affine_map<(d0, d1) -> (0, 0)>
#map1 = affine_map<(d0, d1) -> (0, 0, 0)>
module attributes {stable_mosaic.version = 14 : i64} {
  func.func @agg(%arg0: i32, %arg1: i32, %arg2: memref<10000x64xf32, #tpu.memory_space<hbm>>, %arg3: memref<16x180x128xi32, #tpu.memory_space<hbm>>, %arg4: memref<16x180x128xi32, #tpu.memory_space<hbm>>, %arg5: memref<628x64xf32, #tpu.memory_space<hbm>>, %arg6: memref<2x10048x64xf32, #tpu.memory_space<hbm>>, %arg7: memref<90x128xi32, #tpu.memory_space<vmem>>, %arg8: memref<90x128xi32, #tpu.memory_space<vmem>>, %arg9: memref<128x64xf32, #tpu.memory_space<vmem>>, %arg10: memref<128x64xf32, #tpu.memory_space<vmem>>, %arg11: memref<10048x64xf32, #tpu.memory_space<vmem_shared>>, %arg12: memref<10000x64xf32, #tpu.memory_space<vmem_shared>>, %arg13: memref<!tpu.dma_semaphore, #tpu.memory_space<semaphore_mem>>) attributes {dimension_semantics = [#tpu.dimension_semantics<core_parallel>, #tpu.dimension_semantics<subcore_parallel>], iteration_bounds = array<i64: 2, 16>, scalar_prefetch = 0 : i64, scratch_operands = 7 : i64, tpu.core_type = #tpu.core_type<sc_vector_subcore>, window_params = [{transform_indices = #map}, {transform_indices = #map1}, {transform_indices = #map1}, {transform_indices = #map}, {transform_indices = #map1}]} {
    %mul3A = arith.constant 628 : i32
    %mul3A_0 = arith.muli %arg1, %mul3A : i32
    "tpu.region"() ({
      %run_scoped3A = tpu.sem_alloc : memref<!tpu.dma_semaphore, #tpu.memory_space<semaphore_mem>>
      %dma_start3A = arith.constant 0 : i32
      %dma_start3A_21 = tpu.memref_slice %arg11[%mul3A_0, %dma_start3A] : memref<10048x64xf32, #tpu.memory_space<vmem_shared>> -> memref<628x64xf32, #tpu.memory_space<vmem_shared>>
      tpu.enqueue_dma source(%arg5 : memref<628x64xf32, #tpu.memory_space<hbm>>) target(%dma_start3A_21 : memref<628x64xf32, #tpu.memory_space<vmem_shared>>) target_semaphore(%run_scoped3A : memref<!tpu.dma_semaphore, #tpu.memory_space<semaphore_mem>>)
      %dma_wait3A = arith.constant 0 : i32
      %dma_wait3A_22 = tpu.memref_slice %arg11[%mul3A_0, %dma_wait3A] : memref<10048x64xf32, #tpu.memory_space<vmem_shared>> -> memref<628x64xf32, #tpu.memory_space<vmem_shared>>
      tpu.wait_dma2 semaphore(%run_scoped3A : memref<!tpu.dma_semaphore, #tpu.memory_space<semaphore_mem>>) src(%arg5 : memref<628x64xf32, #tpu.memory_space<hbm>>) dst(%dma_wait3A_22 : memref<628x64xf32, #tpu.memory_space<vmem_shared>>)
      tpu.yield
    }) : () -> ()
    %mul3A_1 = arith.constant 625 : i32
    %mul3A_2 = arith.muli %arg1, %mul3A_1 : i32
    %mul3A_3 = arith.constant 625 : i32
    %mul3A_4 = arith.muli %arg1, %mul3A_3 : i32
    "tpu.region"() ({
      %run_scoped3A = tpu.sem_alloc : memref<!tpu.dma_semaphore, #tpu.memory_space<semaphore_mem>>
      %dma_start3A = arith.constant 0 : i32
      %dma_start3A_21 = tpu.memref_slice %arg12[%mul3A_4, %dma_start3A] : memref<10000x64xf32, #tpu.memory_space<vmem_shared>> -> memref<625x64xf32, #tpu.memory_space<vmem_shared>>
      %dma_start3A_22 = arith.constant 0 : i32
      %dma_start3A_23 = tpu.memref_slice %arg2[%mul3A_2, %dma_start3A_22] : memref<10000x64xf32, #tpu.memory_space<hbm>> -> memref<625x64xf32, #tpu.memory_space<hbm>>
      tpu.enqueue_dma source(%dma_start3A_23 : memref<625x64xf32, #tpu.memory_space<hbm>>) target(%dma_start3A_21 : memref<625x64xf32, #tpu.memory_space<vmem_shared>>) target_semaphore(%run_scoped3A : memref<!tpu.dma_semaphore, #tpu.memory_space<semaphore_mem>>)
      %dma_wait3A = arith.constant 0 : i32
      %dma_wait3A_24 = tpu.memref_slice %arg12[%mul3A_4, %dma_wait3A] : memref<10000x64xf32, #tpu.memory_space<vmem_shared>> -> memref<625x64xf32, #tpu.memory_space<vmem_shared>>
      %dma_wait3A_25 = arith.constant 0 : i32
      %dma_wait3A_26 = tpu.memref_slice %arg2[%mul3A_2, %dma_wait3A_25] : memref<10000x64xf32, #tpu.memory_space<hbm>> -> memref<625x64xf32, #tpu.memory_space<hbm>>
      tpu.wait_dma2 semaphore(%run_scoped3A : memref<!tpu.dma_semaphore, #tpu.memory_space<semaphore_mem>>) src(%dma_wait3A_26 : memref<625x64xf32, #tpu.memory_space<hbm>>) dst(%dma_wait3A_24 : memref<625x64xf32, #tpu.memory_space<vmem_shared>>)
      tpu.yield
    }) : () -> ()
    %mul3A_5 = arith.constant 90 : i32
    %mul3A_6 = arith.muli %arg0, %mul3A_5 : i32
    "tpu.region"() ({
      %run_scoped3A = tpu.sem_alloc : memref<!tpu.dma_semaphore, #tpu.memory_space<semaphore_mem>>
      %dma_start3A = arith.constant 0 : i32
      %dma_start3A_21 = tpu.memref_slice %arg3[%arg1, %mul3A_6, %dma_start3A] : memref<16x180x128xi32, #tpu.memory_space<hbm>> -> memref<1x90x128xi32, #tpu.memory_space<hbm>>
      %dma_start3A_22 = tpu.memref_squeeze %dma_start3A_21 : memref<1x90x128xi32, #tpu.memory_space<hbm>> -> memref<90x128xi32, #tpu.memory_space<hbm>>
      %dma_start3A_23 = arith.constant 0 : i32
      %dma_start3A_24 = tpu.memref_slice %arg3[%arg1, %mul3A_6, %dma_start3A_23] : memref<16x180x128xi32, #tpu.memory_space<hbm>> -> memref<1x90x128xi32, #tpu.memory_space<hbm>>
      %dma_start3A_25 = tpu.memref_squeeze %dma_start3A_24 : memref<1x90x128xi32, #tpu.memory_space<hbm>> -> memref<90x128xi32, #tpu.memory_space<hbm>>
      tpu.enqueue_dma source(%dma_start3A_25 : memref<90x128xi32, #tpu.memory_space<hbm>>) target(%arg7 : memref<90x128xi32, #tpu.memory_space<vmem>>) target_semaphore(%run_scoped3A : memref<!tpu.dma_semaphore, #tpu.memory_space<semaphore_mem>>)
      %dma_wait3A = arith.constant 0 : i32
      %dma_wait3A_26 = tpu.memref_slice %arg3[%arg1, %mul3A_6, %dma_wait3A] : memref<16x180x128xi32, #tpu.memory_space<hbm>> -> memref<1x90x128xi32, #tpu.memory_space<hbm>>
      %dma_wait3A_27 = tpu.memref_squeeze %dma_wait3A_26 : memref<1x90x128xi32, #tpu.memory_space<hbm>> -> memref<90x128xi32, #tpu.memory_space<hbm>>
      %dma_wait3A_28 = arith.constant 0 : i32
      %dma_wait3A_29 = tpu.memref_slice %arg3[%arg1, %mul3A_6, %dma_wait3A_28] : memref<16x180x128xi32, #tpu.memory_space<hbm>> -> memref<1x90x128xi32, #tpu.memory_space<hbm>>
      %dma_wait3A_30 = tpu.memref_squeeze %dma_wait3A_29 : memref<1x90x128xi32, #tpu.memory_space<hbm>> -> memref<90x128xi32, #tpu.memory_space<hbm>>
      tpu.wait_dma2 semaphore(%run_scoped3A : memref<!tpu.dma_semaphore, #tpu.memory_space<semaphore_mem>>) src(%dma_wait3A_30 : memref<90x128xi32, #tpu.memory_space<hbm>>) dst(%arg7 : memref<90x128xi32, #tpu.memory_space<vmem>>)
      tpu.yield
    }) : () -> ()
    %mul3A_7 = arith.constant 90 : i32
    %mul3A_8 = arith.muli %arg0, %mul3A_7 : i32
    "tpu.region"() ({
      %run_scoped3A = tpu.sem_alloc : memref<!tpu.dma_semaphore, #tpu.memory_space<semaphore_mem>>
      %dma_start3A = arith.constant 0 : i32
      %dma_start3A_21 = tpu.memref_slice %arg4[%arg1, %mul3A_8, %dma_start3A] : memref<16x180x128xi32, #tpu.memory_space<hbm>> -> memref<1x90x128xi32, #tpu.memory_space<hbm>>
      %dma_start3A_22 = tpu.memref_squeeze %dma_start3A_21 : memref<1x90x128xi32, #tpu.memory_space<hbm>> -> memref<90x128xi32, #tpu.memory_space<hbm>>
      %dma_start3A_23 = arith.constant 0 : i32
      %dma_start3A_24 = tpu.memref_slice %arg4[%arg1, %mul3A_8, %dma_start3A_23] : memref<16x180x128xi32, #tpu.memory_space<hbm>> -> memref<1x90x128xi32, #tpu.memory_space<hbm>>
      %dma_start3A_25 = tpu.memref_squeeze %dma_start3A_24 : memref<1x90x128xi32, #tpu.memory_space<hbm>> -> memref<90x128xi32, #tpu.memory_space<hbm>>
      tpu.enqueue_dma source(%dma_start3A_25 : memref<90x128xi32, #tpu.memory_space<hbm>>) target(%arg8 : memref<90x128xi32, #tpu.memory_space<vmem>>) target_semaphore(%run_scoped3A : memref<!tpu.dma_semaphore, #tpu.memory_space<semaphore_mem>>)
      %dma_wait3A = arith.constant 0 : i32
      %dma_wait3A_26 = tpu.memref_slice %arg4[%arg1, %mul3A_8, %dma_wait3A] : memref<16x180x128xi32, #tpu.memory_space<hbm>> -> memref<1x90x128xi32, #tpu.memory_space<hbm>>
      %dma_wait3A_27 = tpu.memref_squeeze %dma_wait3A_26 : memref<1x90x128xi32, #tpu.memory_space<hbm>> -> memref<90x128xi32, #tpu.memory_space<hbm>>
      %dma_wait3A_28 = arith.constant 0 : i32
      %dma_wait3A_29 = tpu.memref_slice %arg4[%arg1, %mul3A_8, %dma_wait3A_28] : memref<16x180x128xi32, #tpu.memory_space<hbm>> -> memref<1x90x128xi32, #tpu.memory_space<hbm>>
      %dma_wait3A_30 = tpu.memref_squeeze %dma_wait3A_29 : memref<1x90x128xi32, #tpu.memory_space<hbm>> -> memref<90x128xi32, #tpu.memory_space<hbm>>
      tpu.wait_dma2 semaphore(%run_scoped3A : memref<!tpu.dma_semaphore, #tpu.memory_space<semaphore_mem>>) src(%dma_wait3A_30 : memref<90x128xi32, #tpu.memory_space<hbm>>) dst(%arg8 : memref<90x128xi32, #tpu.memory_space<vmem>>)
      tpu.yield
    }) : () -> ()
    %barrier3A = arith.constant 0 : index
    tpu.barrier barrier_id(%barrier3A)
    %eq3A = arith.constant 0 : i32
    %eq3A_9 = arith.cmpi eq, %arg0, %eq3A : i32
    %jit3A = arith.constant 45 : i32
    %jit3A_10 = arith.constant 35 : i32
    %select_n3A = arith.select %eq3A_9, %jit3A, %jit3A_10 : i32
    %while3A = arith.constant 0 : i32
    %while3A_11 = arith.constant 0 : i32
    %while3A_12 = arith.subi %select_n3A, %while3A_11 : i32
    %while3A_13 = arith.addi %while3A_11, %while3A_12 : i32
    %while3A_14 = arith.constant 1 : i32
    %while3A_15 = arith.divsi %while3A_12, %while3A_14 : i32
    %while3A_16 = arith.muli %while3A_15, %while3A_14 : i32
    %while3A_17 = arith.addi %while3A_11, %while3A_16 : i32
    %while3A_18 = arith.constant 1 : i32
    scf.for %while3A_21 = %while3A_11 to %while3A_17 step %while3A_18  : i32 {
      %mul3A_22 = arith.constant 2 : i32
      %mul3A_23 = arith.muli %mul3A_22, %while3A_21 : i32
      %mul3A_24 = arith.constant 2 : i32
      %mul3A_25 = arith.muli %mul3A_24, %while3A_21 : i32
      %add3A = arith.constant 1 : i32
      %add3A_26 = arith.addi %mul3A_25, %add3A : i32
      %dma_start3A = arith.constant 0 : i32
      %dma_start3A_27 = tpu.memref_slice %arg7[%mul3A_23, %dma_start3A] : memref<90x128xi32, #tpu.memory_space<vmem>> -> memref<1x128xi32, #tpu.memory_space<vmem>>
      %dma_start3A_28 = tpu.memref_squeeze %dma_start3A_27 : memref<1x128xi32, #tpu.memory_space<vmem>> -> memref<128xi32, #tpu.memory_space<vmem>>
      %dma_start3A_29 = arith.constant 0 : i32
      %dma_start3A_30 = arith.constant 0 : i32
      %dma_start3A_31 = tpu.memref_slice %arg12[%dma_start3A_29, %dma_start3A_30] : memref<10000x64xf32, #tpu.memory_space<vmem_shared>> -> memref<10000x64xf32, #tpu.memory_space<vmem_shared>>
      tpu.enqueue_indirect_dma source(%dma_start3A_31 : memref<10000x64xf32, #tpu.memory_space<vmem_shared>>) target(%arg9 : memref<128x64xf32, #tpu.memory_space<vmem>>) offsets(%dma_start3A_28 : memref<128xi32, #tpu.memory_space<vmem>>) semaphore(%arg13 : memref<!tpu.dma_semaphore, #tpu.memory_space<semaphore_mem>>)
      %dma_start3A_32 = arith.constant 0 : i32
      %dma_start3A_33 = tpu.memref_slice %arg7[%add3A_26, %dma_start3A_32] : memref<90x128xi32, #tpu.memory_space<vmem>> -> memref<1x128xi32, #tpu.memory_space<vmem>>
      %dma_start3A_34 = tpu.memref_squeeze %dma_start3A_33 : memref<1x128xi32, #tpu.memory_space<vmem>> -> memref<128xi32, #tpu.memory_space<vmem>>
      %dma_start3A_35 = arith.constant 0 : i32
      %dma_start3A_36 = arith.constant 0 : i32
      %dma_start3A_37 = tpu.memref_slice %arg12[%dma_start3A_35, %dma_start3A_36] : memref<10000x64xf32, #tpu.memory_space<vmem_shared>> -> memref<10000x64xf32, #tpu.memory_space<vmem_shared>>
      tpu.enqueue_indirect_dma source(%dma_start3A_37 : memref<10000x64xf32, #tpu.memory_space<vmem_shared>>) target(%arg10 : memref<128x64xf32, #tpu.memory_space<vmem>>) offsets(%dma_start3A_34 : memref<128xi32, #tpu.memory_space<vmem>>) semaphore(%arg13 : memref<!tpu.dma_semaphore, #tpu.memory_space<semaphore_mem>>)
      %dma_wait3A = arith.constant 0 : i32
      %dma_wait3A_38 = tpu.memref_slice %arg7[%mul3A_23, %dma_wait3A] : memref<90x128xi32, #tpu.memory_space<vmem>> -> memref<1x128xi32, #tpu.memory_space<vmem>>
      %dma_wait3A_39 = tpu.memref_squeeze %dma_wait3A_38 : memref<1x128xi32, #tpu.memory_space<vmem>> -> memref<128xi32, #tpu.memory_space<vmem>>
      %dma_wait3A_40 = arith.constant 0 : i32
      %dma_wait3A_41 = arith.constant 0 : i32
      %dma_wait3A_42 = tpu.memref_slice %arg12[%dma_wait3A_40, %dma_wait3A_41] : memref<10000x64xf32, #tpu.memory_space<vmem_shared>> -> memref<10000x64xf32, #tpu.memory_space<vmem_shared>>
      tpu.wait_indirect_dma semaphore(%arg13 : memref<!tpu.dma_semaphore, #tpu.memory_space<semaphore_mem>>) src(%dma_wait3A_42 : memref<10000x64xf32, #tpu.memory_space<vmem_shared>>) dst(%arg9 : memref<128x64xf32, #tpu.memory_space<vmem>>)
      "tpu.region"() ({
        %run_scoped3A = tpu.sem_alloc : memref<!tpu.dma_semaphore, #tpu.memory_space<semaphore_mem>>
        %dma_start3A_49 = arith.constant 0 : i32
        %dma_start3A_50 = tpu.memref_slice %arg8[%mul3A_23, %dma_start3A_49] : memref<90x128xi32, #tpu.memory_space<vmem>> -> memref<1x128xi32, #tpu.memory_space<vmem>>
        %dma_start3A_51 = tpu.memref_squeeze %dma_start3A_50 : memref<1x128xi32, #tpu.memory_space<vmem>> -> memref<128xi32, #tpu.memory_space<vmem>>
        %dma_start3A_52 = arith.constant 0 : i32
        %dma_start3A_53 = arith.constant 0 : i32
        %dma_start3A_54 = tpu.memref_slice %arg11[%dma_start3A_52, %dma_start3A_53] : memref<10048x64xf32, #tpu.memory_space<vmem_shared>> -> memref<10048x64xf32, #tpu.memory_space<vmem_shared>>
        tpu.enqueue_indirect_dma source(%arg9 : memref<128x64xf32, #tpu.memory_space<vmem>>) target(%dma_start3A_54 : memref<10048x64xf32, #tpu.memory_space<vmem_shared>>) offsets(%dma_start3A_51 : memref<128xi32, #tpu.memory_space<vmem>>) semaphore(%run_scoped3A : memref<!tpu.dma_semaphore, #tpu.memory_space<semaphore_mem>>) {add = true}
        %dma_wait3A_55 = arith.constant 0 : i32
        %dma_wait3A_56 = tpu.memref_slice %arg8[%mul3A_23, %dma_wait3A_55] : memref<90x128xi32, #tpu.memory_space<vmem>> -> memref<1x128xi32, #tpu.memory_space<vmem>>
        %dma_wait3A_57 = tpu.memref_squeeze %dma_wait3A_56 : memref<1x128xi32, #tpu.memory_space<vmem>> -> memref<128xi32, #tpu.memory_space<vmem>>
        %dma_wait3A_58 = arith.constant 0 : i32
        %dma_wait3A_59 = arith.constant 0 : i32
        %dma_wait3A_60 = tpu.memref_slice %arg11[%dma_wait3A_58, %dma_wait3A_59] : memref<10048x64xf32, #tpu.memory_space<vmem_shared>> -> memref<10048x64xf32, #tpu.memory_space<vmem_shared>>
        tpu.wait_indirect_dma semaphore(%run_scoped3A : memref<!tpu.dma_semaphore, #tpu.memory_space<semaphore_mem>>) src(%arg9 : memref<128x64xf32, #tpu.memory_space<vmem>>) dst(%dma_wait3A_60 : memref<10048x64xf32, #tpu.memory_space<vmem_shared>>)
        tpu.yield
      }) : () -> ()
      %dma_wait3A_43 = arith.constant 0 : i32
      %dma_wait3A_44 = tpu.memref_slice %arg7[%add3A_26, %dma_wait3A_43] : memref<90x128xi32, #tpu.memory_space<vmem>> -> memref<1x128xi32, #tpu.memory_space<vmem>>
      %dma_wait3A_45 = tpu.memref_squeeze %dma_wait3A_44 : memref<1x128xi32, #tpu.memory_space<vmem>> -> memref<128xi32, #tpu.memory_space<vmem>>
      %dma_wait3A_46 = arith.constant 0 : i32
      %dma_wait3A_47 = arith.constant 0 : i32
      %dma_wait3A_48 = tpu.memref_slice %arg12[%dma_wait3A_46, %dma_wait3A_47] : memref<10000x64xf32, #tpu.memory_space<vmem_shared>> -> memref<10000x64xf32, #tpu.memory_space<vmem_shared>>
      tpu.wait_indirect_dma semaphore(%arg13 : memref<!tpu.dma_semaphore, #tpu.memory_space<semaphore_mem>>) src(%dma_wait3A_48 : memref<10000x64xf32, #tpu.memory_space<vmem_shared>>) dst(%arg10 : memref<128x64xf32, #tpu.memory_space<vmem>>)
      "tpu.region"() ({
        %run_scoped3A = tpu.sem_alloc : memref<!tpu.dma_semaphore, #tpu.memory_space<semaphore_mem>>
        %dma_start3A_49 = arith.constant 0 : i32
        %dma_start3A_50 = tpu.memref_slice %arg8[%add3A_26, %dma_start3A_49] : memref<90x128xi32, #tpu.memory_space<vmem>> -> memref<1x128xi32, #tpu.memory_space<vmem>>
        %dma_start3A_51 = tpu.memref_squeeze %dma_start3A_50 : memref<1x128xi32, #tpu.memory_space<vmem>> -> memref<128xi32, #tpu.memory_space<vmem>>
        %dma_start3A_52 = arith.constant 0 : i32
        %dma_start3A_53 = arith.constant 0 : i32
        %dma_start3A_54 = tpu.memref_slice %arg11[%dma_start3A_52, %dma_start3A_53] : memref<10048x64xf32, #tpu.memory_space<vmem_shared>> -> memref<10048x64xf32, #tpu.memory_space<vmem_shared>>
        tpu.enqueue_indirect_dma source(%arg10 : memref<128x64xf32, #tpu.memory_space<vmem>>) target(%dma_start3A_54 : memref<10048x64xf32, #tpu.memory_space<vmem_shared>>) offsets(%dma_start3A_51 : memref<128xi32, #tpu.memory_space<vmem>>) semaphore(%run_scoped3A : memref<!tpu.dma_semaphore, #tpu.memory_space<semaphore_mem>>) {add = true}
        %dma_wait3A_55 = arith.constant 0 : i32
        %dma_wait3A_56 = tpu.memref_slice %arg8[%add3A_26, %dma_wait3A_55] : memref<90x128xi32, #tpu.memory_space<vmem>> -> memref<1x128xi32, #tpu.memory_space<vmem>>
        %dma_wait3A_57 = tpu.memref_squeeze %dma_wait3A_56 : memref<1x128xi32, #tpu.memory_space<vmem>> -> memref<128xi32, #tpu.memory_space<vmem>>
        %dma_wait3A_58 = arith.constant 0 : i32
        %dma_wait3A_59 = arith.constant 0 : i32
        %dma_wait3A_60 = tpu.memref_slice %arg11[%dma_wait3A_58, %dma_wait3A_59] : memref<10048x64xf32, #tpu.memory_space<vmem_shared>> -> memref<10048x64xf32, #tpu.memory_space<vmem_shared>>
        tpu.wait_indirect_dma semaphore(%run_scoped3A : memref<!tpu.dma_semaphore, #tpu.memory_space<semaphore_mem>>) src(%arg10 : memref<128x64xf32, #tpu.memory_space<vmem>>) dst(%dma_wait3A_60 : memref<10048x64xf32, #tpu.memory_space<vmem_shared>>)
        tpu.yield
      }) : () -> ()
    }
    %while3A_19 = arith.constant 1 : i32
    scf.for %while3A_21 = %while3A_17 to %while3A_13 step %while3A_19  : i32 {
      %mul3A_22 = arith.constant 2 : i32
      %mul3A_23 = arith.muli %mul3A_22, %while3A_21 : i32
      %mul3A_24 = arith.constant 2 : i32
      %mul3A_25 = arith.muli %mul3A_24, %while3A_21 : i32
      %add3A = arith.constant 1 : i32
      %add3A_26 = arith.addi %mul3A_25, %add3A : i32
      %dma_start3A = arith.constant 0 : i32
      %dma_start3A_27 = tpu.memref_slice %arg7[%mul3A_23, %dma_start3A] : memref<90x128xi32, #tpu.memory_space<vmem>> -> memref<1x128xi32, #tpu.memory_space<vmem>>
      %dma_start3A_28 = tpu.memref_squeeze %dma_start3A_27 : memref<1x128xi32, #tpu.memory_space<vmem>> -> memref<128xi32, #tpu.memory_space<vmem>>
      %dma_start3A_29 = arith.constant 0 : i32
      %dma_start3A_30 = arith.constant 0 : i32
      %dma_start3A_31 = tpu.memref_slice %arg12[%dma_start3A_29, %dma_start3A_30] : memref<10000x64xf32, #tpu.memory_space<vmem_shared>> -> memref<10000x64xf32, #tpu.memory_space<vmem_shared>>
      tpu.enqueue_indirect_dma source(%dma_start3A_31 : memref<10000x64xf32, #tpu.memory_space<vmem_shared>>) target(%arg9 : memref<128x64xf32, #tpu.memory_space<vmem>>) offsets(%dma_start3A_28 : memref<128xi32, #tpu.memory_space<vmem>>) semaphore(%arg13 : memref<!tpu.dma_semaphore, #tpu.memory_space<semaphore_mem>>)
      %dma_start3A_32 = arith.constant 0 : i32
      %dma_start3A_33 = tpu.memref_slice %arg7[%add3A_26, %dma_start3A_32] : memref<90x128xi32, #tpu.memory_space<vmem>> -> memref<1x128xi32, #tpu.memory_space<vmem>>
      %dma_start3A_34 = tpu.memref_squeeze %dma_start3A_33 : memref<1x128xi32, #tpu.memory_space<vmem>> -> memref<128xi32, #tpu.memory_space<vmem>>
      %dma_start3A_35 = arith.constant 0 : i32
      %dma_start3A_36 = arith.constant 0 : i32
      %dma_start3A_37 = tpu.memref_slice %arg12[%dma_start3A_35, %dma_start3A_36] : memref<10000x64xf32, #tpu.memory_space<vmem_shared>> -> memref<10000x64xf32, #tpu.memory_space<vmem_shared>>
      tpu.enqueue_indirect_dma source(%dma_start3A_37 : memref<10000x64xf32, #tpu.memory_space<vmem_shared>>) target(%arg10 : memref<128x64xf32, #tpu.memory_space<vmem>>) offsets(%dma_start3A_34 : memref<128xi32, #tpu.memory_space<vmem>>) semaphore(%arg13 : memref<!tpu.dma_semaphore, #tpu.memory_space<semaphore_mem>>)
      %dma_wait3A = arith.constant 0 : i32
      %dma_wait3A_38 = tpu.memref_slice %arg7[%mul3A_23, %dma_wait3A] : memref<90x128xi32, #tpu.memory_space<vmem>> -> memref<1x128xi32, #tpu.memory_space<vmem>>
      %dma_wait3A_39 = tpu.memref_squeeze %dma_wait3A_38 : memref<1x128xi32, #tpu.memory_space<vmem>> -> memref<128xi32, #tpu.memory_space<vmem>>
      %dma_wait3A_40 = arith.constant 0 : i32
      %dma_wait3A_41 = arith.constant 0 : i32
      %dma_wait3A_42 = tpu.memref_slice %arg12[%dma_wait3A_40, %dma_wait3A_41] : memref<10000x64xf32, #tpu.memory_space<vmem_shared>> -> memref<10000x64xf32, #tpu.memory_space<vmem_shared>>
      tpu.wait_indirect_dma semaphore(%arg13 : memref<!tpu.dma_semaphore, #tpu.memory_space<semaphore_mem>>) src(%dma_wait3A_42 : memref<10000x64xf32, #tpu.memory_space<vmem_shared>>) dst(%arg9 : memref<128x64xf32, #tpu.memory_space<vmem>>)
      "tpu.region"() ({
        %run_scoped3A = tpu.sem_alloc : memref<!tpu.dma_semaphore, #tpu.memory_space<semaphore_mem>>
        %dma_start3A_49 = arith.constant 0 : i32
        %dma_start3A_50 = tpu.memref_slice %arg8[%mul3A_23, %dma_start3A_49] : memref<90x128xi32, #tpu.memory_space<vmem>> -> memref<1x128xi32, #tpu.memory_space<vmem>>
        %dma_start3A_51 = tpu.memref_squeeze %dma_start3A_50 : memref<1x128xi32, #tpu.memory_space<vmem>> -> memref<128xi32, #tpu.memory_space<vmem>>
        %dma_start3A_52 = arith.constant 0 : i32
        %dma_start3A_53 = arith.constant 0 : i32
        %dma_start3A_54 = tpu.memref_slice %arg11[%dma_start3A_52, %dma_start3A_53] : memref<10048x64xf32, #tpu.memory_space<vmem_shared>> -> memref<10048x64xf32, #tpu.memory_space<vmem_shared>>
        tpu.enqueue_indirect_dma source(%arg9 : memref<128x64xf32, #tpu.memory_space<vmem>>) target(%dma_start3A_54 : memref<10048x64xf32, #tpu.memory_space<vmem_shared>>) offsets(%dma_start3A_51 : memref<128xi32, #tpu.memory_space<vmem>>) semaphore(%run_scoped3A : memref<!tpu.dma_semaphore, #tpu.memory_space<semaphore_mem>>) {add = true}
        %dma_wait3A_55 = arith.constant 0 : i32
        %dma_wait3A_56 = tpu.memref_slice %arg8[%mul3A_23, %dma_wait3A_55] : memref<90x128xi32, #tpu.memory_space<vmem>> -> memref<1x128xi32, #tpu.memory_space<vmem>>
        %dma_wait3A_57 = tpu.memref_squeeze %dma_wait3A_56 : memref<1x128xi32, #tpu.memory_space<vmem>> -> memref<128xi32, #tpu.memory_space<vmem>>
        %dma_wait3A_58 = arith.constant 0 : i32
        %dma_wait3A_59 = arith.constant 0 : i32
        %dma_wait3A_60 = tpu.memref_slice %arg11[%dma_wait3A_58, %dma_wait3A_59] : memref<10048x64xf32, #tpu.memory_space<vmem_shared>> -> memref<10048x64xf32, #tpu.memory_space<vmem_shared>>
        tpu.wait_indirect_dma semaphore(%run_scoped3A : memref<!tpu.dma_semaphore, #tpu.memory_space<semaphore_mem>>) src(%arg9 : memref<128x64xf32, #tpu.memory_space<vmem>>) dst(%dma_wait3A_60 : memref<10048x64xf32, #tpu.memory_space<vmem_shared>>)
        tpu.yield
      }) : () -> ()
      %dma_wait3A_43 = arith.constant 0 : i32
      %dma_wait3A_44 = tpu.memref_slice %arg7[%add3A_26, %dma_wait3A_43] : memref<90x128xi32, #tpu.memory_space<vmem>> -> memref<1x128xi32, #tpu.memory_space<vmem>>
      %dma_wait3A_45 = tpu.memref_squeeze %dma_wait3A_44 : memref<1x128xi32, #tpu.memory_space<vmem>> -> memref<128xi32, #tpu.memory_space<vmem>>
      %dma_wait3A_46 = arith.constant 0 : i32
      %dma_wait3A_47 = arith.constant 0 : i32
      %dma_wait3A_48 = tpu.memref_slice %arg12[%dma_wait3A_46, %dma_wait3A_47] : memref<10000x64xf32, #tpu.memory_space<vmem_shared>> -> memref<10000x64xf32, #tpu.memory_space<vmem_shared>>
      tpu.wait_indirect_dma semaphore(%arg13 : memref<!tpu.dma_semaphore, #tpu.memory_space<semaphore_mem>>) src(%dma_wait3A_48 : memref<10000x64xf32, #tpu.memory_space<vmem_shared>>) dst(%arg10 : memref<128x64xf32, #tpu.memory_space<vmem>>)
      "tpu.region"() ({
        %run_scoped3A = tpu.sem_alloc : memref<!tpu.dma_semaphore, #tpu.memory_space<semaphore_mem>>
        %dma_start3A_49 = arith.constant 0 : i32
        %dma_start3A_50 = tpu.memref_slice %arg8[%add3A_26, %dma_start3A_49] : memref<90x128xi32, #tpu.memory_space<vmem>> -> memref<1x128xi32, #tpu.memory_space<vmem>>
        %dma_start3A_51 = tpu.memref_squeeze %dma_start3A_50 : memref<1x128xi32, #tpu.memory_space<vmem>> -> memref<128xi32, #tpu.memory_space<vmem>>
        %dma_start3A_52 = arith.constant 0 : i32
        %dma_start3A_53 = arith.constant 0 : i32
        %dma_start3A_54 = tpu.memref_slice %arg11[%dma_start3A_52, %dma_start3A_53] : memref<10048x64xf32, #tpu.memory_space<vmem_shared>> -> memref<10048x64xf32, #tpu.memory_space<vmem_shared>>
        tpu.enqueue_indirect_dma source(%arg10 : memref<128x64xf32, #tpu.memory_space<vmem>>) target(%dma_start3A_54 : memref<10048x64xf32, #tpu.memory_space<vmem_shared>>) offsets(%dma_start3A_51 : memref<128xi32, #tpu.memory_space<vmem>>) semaphore(%run_scoped3A : memref<!tpu.dma_semaphore, #tpu.memory_space<semaphore_mem>>) {add = true}
        %dma_wait3A_55 = arith.constant 0 : i32
        %dma_wait3A_56 = tpu.memref_slice %arg8[%add3A_26, %dma_wait3A_55] : memref<90x128xi32, #tpu.memory_space<vmem>> -> memref<1x128xi32, #tpu.memory_space<vmem>>
        %dma_wait3A_57 = tpu.memref_squeeze %dma_wait3A_56 : memref<1x128xi32, #tpu.memory_space<vmem>> -> memref<128xi32, #tpu.memory_space<vmem>>
        %dma_wait3A_58 = arith.constant 0 : i32
        %dma_wait3A_59 = arith.constant 0 : i32
        %dma_wait3A_60 = tpu.memref_slice %arg11[%dma_wait3A_58, %dma_wait3A_59] : memref<10048x64xf32, #tpu.memory_space<vmem_shared>> -> memref<10048x64xf32, #tpu.memory_space<vmem_shared>>
        tpu.wait_indirect_dma semaphore(%run_scoped3A : memref<!tpu.dma_semaphore, #tpu.memory_space<semaphore_mem>>) src(%arg10 : memref<128x64xf32, #tpu.memory_space<vmem>>) dst(%dma_wait3A_60 : memref<10048x64xf32, #tpu.memory_space<vmem_shared>>)
        tpu.yield
      }) : () -> ()
    }
    %barrier3A_20 = arith.constant 0 : index
    tpu.barrier barrier_id(%barrier3A_20)
    "tpu.region"() ({
      %run_scoped3A = tpu.sem_alloc : memref<!tpu.dma_semaphore, #tpu.memory_space<semaphore_mem>>
      %dma_start3A = arith.constant 0 : i32
      %dma_start3A_21 = tpu.memref_slice %arg6[%arg0, %mul3A_0, %dma_start3A] : memref<2x10048x64xf32, #tpu.memory_space<hbm>> -> memref<1x628x64xf32, #tpu.memory_space<hbm>>
      %dma_start3A_22 = tpu.memref_squeeze %dma_start3A_21 : memref<1x628x64xf32, #tpu.memory_space<hbm>> -> memref<628x64xf32, #tpu.memory_space<hbm>>
      %dma_start3A_23 = arith.constant 0 : i32
      %dma_start3A_24 = tpu.memref_slice %arg11[%mul3A_0, %dma_start3A_23] : memref<10048x64xf32, #tpu.memory_space<vmem_shared>> -> memref<628x64xf32, #tpu.memory_space<vmem_shared>>
      tpu.enqueue_dma source(%dma_start3A_24 : memref<628x64xf32, #tpu.memory_space<vmem_shared>>) target(%dma_start3A_22 : memref<628x64xf32, #tpu.memory_space<hbm>>) target_semaphore(%run_scoped3A : memref<!tpu.dma_semaphore, #tpu.memory_space<semaphore_mem>>)
      %dma_wait3A = arith.constant 0 : i32
      %dma_wait3A_25 = tpu.memref_slice %arg6[%arg0, %mul3A_0, %dma_wait3A] : memref<2x10048x64xf32, #tpu.memory_space<hbm>> -> memref<1x628x64xf32, #tpu.memory_space<hbm>>
      %dma_wait3A_26 = tpu.memref_squeeze %dma_wait3A_25 : memref<1x628x64xf32, #tpu.memory_space<hbm>> -> memref<628x64xf32, #tpu.memory_space<hbm>>
      %dma_wait3A_27 = arith.constant 0 : i32
      %dma_wait3A_28 = tpu.memref_slice %arg11[%mul3A_0, %dma_wait3A_27] : memref<10048x64xf32, #tpu.memory_space<vmem_shared>> -> memref<628x64xf32, #tpu.memory_space<vmem_shared>>
      tpu.wait_dma2 semaphore(%run_scoped3A : memref<!tpu.dma_semaphore, #tpu.memory_space<semaphore_mem>>) src(%dma_wait3A_28 : memref<628x64xf32, #tpu.memory_space<vmem_shared>>) dst(%dma_wait3A_26 : memref<628x64xf32, #tpu.memory_space<hbm>>)
      tpu.yield
    }) : () -> ()
    return
  }
}

module attributes {stable_mosaic.version = 14 : i64} {
  func.func @_k0_body(%arg0: memref<10000x128xf32, #tpu.memory_space<vmem>>, %arg1: memref<128x64xf32, #tpu.memory_space<vmem>>, %arg2: memref<128x64xf32, #tpu.memory_space<vmem>>, %arg3: memref<1x64xf32, #tpu.memory_space<vmem>>, %arg4: memref<1x64xf32, #tpu.memory_space<vmem>>, %arg5: memref<1x64xf32, #tpu.memory_space<vmem>>, %arg6: memref<1x64xf32, #tpu.memory_space<vmem>>, %arg7: memref<1x64xf32, #tpu.memory_space<vmem>>, %arg8: memref<10000x64xf32, #tpu.memory_space<vmem>>, %arg9: memref<10000x64xf32, #tpu.memory_space<vmem>>) attributes {dimension_semantics = [], scalar_prefetch = 0 : i64, scratch_operands = 0 : i64, tpu.core_type = #tpu.core_type<tc>} {
    %get3A = arith.constant 0 : index
    %get3A_0 = arith.constant 0 : index
    %get3A_1 = vector.load %arg1[%get3A, %get3A_0] : memref<128x64xf32, #tpu.memory_space<vmem>>, vector<128x64xf32>
    %get3A_2 = arith.constant 0 : index
    %get3A_3 = arith.constant 0 : index
    %get3A_4 = vector.load %arg2[%get3A_2, %get3A_3] : memref<128x64xf32, #tpu.memory_space<vmem>>, vector<128x64xf32>
    %get3A_5 = arith.constant 0 : index
    %get3A_6 = arith.constant 0 : index
    %get3A_7 = vector.load %arg3[%get3A_5, %get3A_6] : memref<1x64xf32, #tpu.memory_space<vmem>>, vector<1x64xf32>
    %get3A_8 = arith.constant 0 : index
    %get3A_9 = arith.constant 0 : index
    %get3A_10 = vector.load %arg4[%get3A_8, %get3A_9] : memref<1x64xf32, #tpu.memory_space<vmem>>, vector<1x64xf32>
    %get3A_11 = arith.constant 0 : index
    %get3A_12 = arith.constant 0 : index
    %get3A_13 = vector.load %arg5[%get3A_11, %get3A_12] : memref<1x64xf32, #tpu.memory_space<vmem>>, vector<1x64xf32>
    %get3A_14 = arith.constant 0 : index
    %get3A_15 = arith.constant 0 : index
    %get3A_16 = vector.load %arg6[%get3A_14, %get3A_15] : memref<1x64xf32, #tpu.memory_space<vmem>>, vector<1x64xf32>
    %get3A_17 = arith.constant 0 : index
    %get3A_18 = arith.constant 0 : index
    %get3A_19 = vector.load %arg7[%get3A_17, %get3A_18] : memref<1x64xf32, #tpu.memory_space<vmem>>, vector<1x64xf32>
    %add3A = arith.constant 9.99999974E-6 : f32
    %add3A_20 = vector.broadcast %add3A : f32 to vector<1x64xf32>
    %add3A_21 = arith.addf %get3A_19, %add3A_20 : vector<1x64xf32>
    %rsqrt3A = math.rsqrt %add3A_21 : vector<1x64xf32>
    %mul3A = arith.mulf %get3A_10, %rsqrt3A : vector<1x64xf32>
    %mul3A_22 = vector.broadcast %mul3A : vector<1x64xf32> to vector<128x64xf32>
    %mul3A_23 = arith.mulf %get3A_1, %mul3A_22 : vector<128x64xf32>
    %mul3A_24 = vector.broadcast %mul3A : vector<1x64xf32> to vector<128x64xf32>
    %mul3A_25 = arith.mulf %get3A_4, %mul3A_24 : vector<128x64xf32>
    %sub3A = arith.subf %get3A_7, %get3A_16 : vector<1x64xf32>
    %mul3A_26 = arith.mulf %sub3A, %mul3A : vector<1x64xf32>
    %add3A_27 = arith.addf %mul3A_26, %get3A_13 : vector<1x64xf32>
    %get3A_28 = arith.constant 0 : index
    %get3A_29 = arith.constant 0 : index
    %get3A_30 = vector.load %arg0[%get3A_28, %get3A_29] : memref<10000x128xf32, #tpu.memory_space<vmem>>, vector<10000x128xf32>
    %dot_general3A = arith.constant dense<0.000000e+00> : vector<10000x64xf32>
    %dot_general3A_31 = tpu.matmul %get3A_30, %mul3A_23, %dot_general3A {dimension_numbers = #tpu.dot_dimension_numbers<[1], [0], [0], [1], [0, 0, 1, 1], [], []>, transpose_lhs_hint = false} : vector<10000x128xf32>, vector<128x64xf32>, vector<10000x64xf32> -> vector<10000x64xf32>
    %swap3A = arith.constant 0 : index
    %swap3A_32 = arith.constant 0 : index
    %swap3A_33 = vector.load %arg8[%swap3A, %swap3A_32] : memref<10000x64xf32, #tpu.memory_space<vmem>>, vector<10000x64xf32>
    tpu.vector_store %arg8[%swap3A, %swap3A_32], %dot_general3A_31 {strides = array<i32>} : memref<10000x64xf32, #tpu.memory_space<vmem>>, vector<10000x64xf32>,
    %dot_general3A_34 = arith.constant dense<0.000000e+00> : vector<10000x64xf32>
    %dot_general3A_35 = tpu.matmul %get3A_30, %mul3A_25, %dot_general3A_34 {dimension_numbers = #tpu.dot_dimension_numbers<[1], [0], [0], [1], [0, 0, 1, 1], [], []>, transpose_lhs_hint = false} : vector<10000x128xf32>, vector<128x64xf32>, vector<10000x64xf32> -> vector<10000x64xf32>
    %add3A_36 = vector.broadcast %add3A_27 : vector<1x64xf32> to vector<10000x64xf32>
    %add3A_37 = arith.addf %dot_general3A_35, %add3A_36 : vector<10000x64xf32>
    %swap3A_38 = arith.constant 0 : index
    %swap3A_39 = arith.constant 0 : index
    %swap3A_40 = vector.load %arg9[%swap3A_38, %swap3A_39] : memref<10000x64xf32, #tpu.memory_space<vmem>>, vector<10000x64xf32>
    tpu.vector_store %arg9[%swap3A_38, %swap3A_39], %add3A_37 {strides = array<i32>} : memref<10000x64xf32, #tpu.memory_space<vmem>>, vector<10000x64xf32>,
    return
  }
}

module attributes {stable_mosaic.version = 14 : i64} {
  func.func @_k1_body(%arg0: memref<2x10048x64xf32, #tpu.memory_space<vmem>>, %arg1: memref<2x10048x16xf32, #tpu.memory_space<vmem>>, %arg2: memref<10000x64xf32, #tpu.memory_space<vmem>>, %arg3: memref<64x64xf32, #tpu.memory_space<vmem>>, %arg4: memref<64x64xf32, #tpu.memory_space<vmem>>, %arg5: memref<1x64xf32, #tpu.memory_space<vmem>>, %arg6: memref<1x64xf32, #tpu.memory_space<vmem>>, %arg7: memref<1x64xf32, #tpu.memory_space<vmem>>, %arg8: memref<1x64xf32, #tpu.memory_space<vmem>>, %arg9: memref<1x64xf32, #tpu.memory_space<vmem>>, %arg10: memref<10000x64xf32, #tpu.memory_space<vmem>>, %arg11: memref<10000x64xf32, #tpu.memory_space<vmem>>, %arg12: memref<10000x1xf32, #tpu.memory_space<vmem>>) attributes {dimension_semantics = [], scalar_prefetch = 0 : i64, scratch_operands = 0 : i64, tpu.core_type = #tpu.core_type<tc>} {
    %get3A = arith.constant 0 : index
    %get3A_0 = arith.constant 0 : index
    %get3A_1 = arith.constant 0 : index
    %get3A_2 = vector.load %arg0[%get3A, %get3A_0, %get3A_1] : memref<2x10048x64xf32, #tpu.memory_space<vmem>>, vector<1x10000x64xf32>
    %get3A_3 = vector.shape_cast %get3A_2 : vector<1x10000x64xf32> to vector<10000x64xf32>
    %get3A_4 = arith.constant 1 : index
    %get3A_5 = arith.constant 0 : index
    %get3A_6 = arith.constant 0 : index
    %get3A_7 = vector.load %arg0[%get3A_4, %get3A_5, %get3A_6] : memref<2x10048x64xf32, #tpu.memory_space<vmem>>, vector<1x10000x64xf32>
    %get3A_8 = vector.shape_cast %get3A_7 : vector<1x10000x64xf32> to vector<10000x64xf32>
    %add3A = arith.addf %get3A_3, %get3A_8 : vector<10000x64xf32>
    %get3A_9 = arith.constant 0 : index
    %get3A_10 = arith.constant 0 : index
    %get3A_11 = arith.constant 0 : index
    %get3A_12 = vector.load %arg1[%get3A_9, %get3A_10, %get3A_11] : memref<2x10048x16xf32, #tpu.memory_space<vmem>>, vector<1x10000x1xf32>
    %get3A_13 = vector.shape_cast %get3A_12 : vector<1x10000x1xf32> to vector<10000x1xf32>
    %get3A_14 = arith.constant 1 : index
    %get3A_15 = arith.constant 0 : index
    %get3A_16 = arith.constant 0 : index
    %get3A_17 = vector.load %arg1[%get3A_14, %get3A_15, %get3A_16] : memref<2x10048x16xf32, #tpu.memory_space<vmem>>, vector<1x10000x1xf32>
    %get3A_18 = vector.shape_cast %get3A_17 : vector<1x10000x1xf32> to vector<10000x1xf32>
    %add3A_19 = arith.addf %get3A_13, %get3A_18 : vector<10000x1xf32>
    %max3A = arith.constant 1.000000e+00 : f32
    %max3A_20 = vector.broadcast %max3A : f32 to vector<10000x1xf32>
    %max3A_21 = arith.maximumf %add3A_19, %max3A_20 : vector<10000x1xf32>
    %div3A = arith.constant 1.000000e+00 : f32
    %div3A_22 = vector.broadcast %div3A : f32 to vector<10000x1xf32>
    %div3A_23 = arith.divf %div3A_22, %max3A_21 : vector<10000x1xf32>
    %mul3A = vector.broadcast %div3A_23 : vector<10000x1xf32> to vector<10000x64xf32>
    %mul3A_24 = arith.mulf %add3A, %mul3A : vector<10000x64xf32>
    %get3A_25 = arith.constant 0 : index
    %get3A_26 = arith.constant 0 : index
    %get3A_27 = vector.load %arg2[%get3A_25, %get3A_26] : memref<10000x64xf32, #tpu.memory_space<vmem>>, vector<10000x64xf32>
    %add3A_28 = arith.addf %mul3A_24, %get3A_27 : vector<10000x64xf32>
    %max3A_29 = arith.constant 0.000000e+00 : f32
    %max3A_30 = vector.broadcast %max3A_29 : f32 to vector<10000x64xf32>
    %max3A_31 = arith.maximumf %add3A_28, %max3A_30 : vector<10000x64xf32>
    %get3A_32 = arith.constant 0 : index
    %get3A_33 = arith.constant 0 : index
    %get3A_34 = vector.load %arg3[%get3A_32, %get3A_33] : memref<64x64xf32, #tpu.memory_space<vmem>>, vector<64x64xf32>
    %get3A_35 = arith.constant 0 : index
    %get3A_36 = arith.constant 0 : index
    %get3A_37 = vector.load %arg4[%get3A_35, %get3A_36] : memref<64x64xf32, #tpu.memory_space<vmem>>, vector<64x64xf32>
    %get3A_38 = arith.constant 0 : index
    %get3A_39 = arith.constant 0 : index
    %get3A_40 = vector.load %arg5[%get3A_38, %get3A_39] : memref<1x64xf32, #tpu.memory_space<vmem>>, vector<1x64xf32>
    %get3A_41 = arith.constant 0 : index
    %get3A_42 = arith.constant 0 : index
    %get3A_43 = vector.load %arg6[%get3A_41, %get3A_42] : memref<1x64xf32, #tpu.memory_space<vmem>>, vector<1x64xf32>
    %get3A_44 = arith.constant 0 : index
    %get3A_45 = arith.constant 0 : index
    %get3A_46 = vector.load %arg7[%get3A_44, %get3A_45] : memref<1x64xf32, #tpu.memory_space<vmem>>, vector<1x64xf32>
    %get3A_47 = arith.constant 0 : index
    %get3A_48 = arith.constant 0 : index
    %get3A_49 = vector.load %arg8[%get3A_47, %get3A_48] : memref<1x64xf32, #tpu.memory_space<vmem>>, vector<1x64xf32>
    %get3A_50 = arith.constant 0 : index
    %get3A_51 = arith.constant 0 : index
    %get3A_52 = vector.load %arg9[%get3A_50, %get3A_51] : memref<1x64xf32, #tpu.memory_space<vmem>>, vector<1x64xf32>
    %add3A_53 = arith.constant 9.99999974E-6 : f32
    %add3A_54 = vector.broadcast %add3A_53 : f32 to vector<1x64xf32>
    %add3A_55 = arith.addf %get3A_52, %add3A_54 : vector<1x64xf32>
    %rsqrt3A = math.rsqrt %add3A_55 : vector<1x64xf32>
    %mul3A_56 = arith.mulf %get3A_43, %rsqrt3A : vector<1x64xf32>
    %mul3A_57 = vector.broadcast %mul3A_56 : vector<1x64xf32> to vector<64x64xf32>
    %mul3A_58 = arith.mulf %get3A_34, %mul3A_57 : vector<64x64xf32>
    %mul3A_59 = vector.broadcast %mul3A_56 : vector<1x64xf32> to vector<64x64xf32>
    %mul3A_60 = arith.mulf %get3A_37, %mul3A_59 : vector<64x64xf32>
    %sub3A = arith.subf %get3A_40, %get3A_49 : vector<1x64xf32>
    %mul3A_61 = arith.mulf %sub3A, %mul3A_56 : vector<1x64xf32>
    %add3A_62 = arith.addf %mul3A_61, %get3A_46 : vector<1x64xf32>
    %dot_general3A = arith.constant dense<0.000000e+00> : vector<10000x64xf32>
    %dot_general3A_63 = tpu.matmul %max3A_31, %mul3A_58, %dot_general3A {dimension_numbers = #tpu.dot_dimension_numbers<[1], [0], [0], [1], [0, 0, 1, 1], [], []>, transpose_lhs_hint = false} : vector<10000x64xf32>, vector<64x64xf32>, vector<10000x64xf32> -> vector<10000x64xf32>
    %swap3A = arith.constant 0 : index
    %swap3A_64 = arith.constant 0 : index
    %swap3A_65 = vector.load %arg10[%swap3A, %swap3A_64] : memref<10000x64xf32, #tpu.memory_space<vmem>>, vector<10000x64xf32>
    tpu.vector_store %arg10[%swap3A, %swap3A_64], %dot_general3A_63 {strides = array<i32>} : memref<10000x64xf32, #tpu.memory_space<vmem>>, vector<10000x64xf32>,
    %dot_general3A_66 = arith.constant dense<0.000000e+00> : vector<10000x64xf32>
    %dot_general3A_67 = tpu.matmul %max3A_31, %mul3A_60, %dot_general3A_66 {dimension_numbers = #tpu.dot_dimension_numbers<[1], [0], [0], [1], [0, 0, 1, 1], [], []>, transpose_lhs_hint = false} : vector<10000x64xf32>, vector<64x64xf32>, vector<10000x64xf32> -> vector<10000x64xf32>
    %add3A_68 = vector.broadcast %add3A_62 : vector<1x64xf32> to vector<10000x64xf32>
    %add3A_69 = arith.addf %dot_general3A_67, %add3A_68 : vector<10000x64xf32>
    %swap3A_70 = arith.constant 0 : index
    %swap3A_71 = arith.constant 0 : index
    %swap3A_72 = vector.load %arg11[%swap3A_70, %swap3A_71] : memref<10000x64xf32, #tpu.memory_space<vmem>>, vector<10000x64xf32>
    tpu.vector_store %arg11[%swap3A_70, %swap3A_71], %add3A_69 {strides = array<i32>} : memref<10000x64xf32, #tpu.memory_space<vmem>>, vector<10000x64xf32>,
    %swap3A_73 = arith.constant 0 : index
    %swap3A_74 = arith.constant 0 : index
    %swap3A_75 = vector.load %arg12[%swap3A_73, %swap3A_74] : memref<10000x1xf32, #tpu.memory_space<vmem>>, vector<10000x1xf32>
    tpu.vector_store %arg12[%swap3A_73, %swap3A_74], %div3A_23 {strides = array<i32>} : memref<10000x1xf32, #tpu.memory_space<vmem>>, vector<10000x1xf32>,
    return
  }
}

module attributes {stable_mosaic.version = 14 : i64} {
  func.func @_k2_body(%arg0: memref<2x10048x64xf32, #tpu.memory_space<vmem>>, %arg1: memref<10000x64xf32, #tpu.memory_space<vmem>>, %arg2: memref<10000x1xf32, #tpu.memory_space<vmem>>, %arg3: memref<64x64xf32, #tpu.memory_space<vmem>>, %arg4: memref<64x64xf32, #tpu.memory_space<vmem>>, %arg5: memref<1x64xf32, #tpu.memory_space<vmem>>, %arg6: memref<1x64xf32, #tpu.memory_space<vmem>>, %arg7: memref<1x64xf32, #tpu.memory_space<vmem>>, %arg8: memref<1x64xf32, #tpu.memory_space<vmem>>, %arg9: memref<1x64xf32, #tpu.memory_space<vmem>>, %arg10: memref<10000x64xf32, #tpu.memory_space<vmem>>, %arg11: memref<10000x64xf32, #tpu.memory_space<vmem>>) attributes {dimension_semantics = [], scalar_prefetch = 0 : i64, scratch_operands = 0 : i64, tpu.core_type = #tpu.core_type<tc>} {
    %get3A = arith.constant 0 : index
    %get3A_0 = arith.constant 0 : index
    %get3A_1 = arith.constant 0 : index
    %get3A_2 = vector.load %arg0[%get3A, %get3A_0, %get3A_1] : memref<2x10048x64xf32, #tpu.memory_space<vmem>>, vector<1x10000x64xf32>
    %get3A_3 = vector.shape_cast %get3A_2 : vector<1x10000x64xf32> to vector<10000x64xf32>
    %get3A_4 = arith.constant 1 : index
    %get3A_5 = arith.constant 0 : index
    %get3A_6 = arith.constant 0 : index
    %get3A_7 = vector.load %arg0[%get3A_4, %get3A_5, %get3A_6] : memref<2x10048x64xf32, #tpu.memory_space<vmem>>, vector<1x10000x64xf32>
    %get3A_8 = vector.shape_cast %get3A_7 : vector<1x10000x64xf32> to vector<10000x64xf32>
    %add3A = arith.addf %get3A_3, %get3A_8 : vector<10000x64xf32>
    %get3A_9 = arith.constant 0 : index
    %get3A_10 = arith.constant 0 : index
    %get3A_11 = vector.load %arg2[%get3A_9, %get3A_10] : memref<10000x1xf32, #tpu.memory_space<vmem>>, vector<10000x1xf32>
    %mul3A = vector.broadcast %get3A_11 : vector<10000x1xf32> to vector<10000x64xf32>
    %mul3A_12 = arith.mulf %add3A, %mul3A : vector<10000x64xf32>
    %get3A_13 = arith.constant 0 : index
    %get3A_14 = arith.constant 0 : index
    %get3A_15 = vector.load %arg1[%get3A_13, %get3A_14] : memref<10000x64xf32, #tpu.memory_space<vmem>>, vector<10000x64xf32>
    %add3A_16 = arith.addf %mul3A_12, %get3A_15 : vector<10000x64xf32>
    %max3A = arith.constant 0.000000e+00 : f32
    %max3A_17 = vector.broadcast %max3A : f32 to vector<10000x64xf32>
    %max3A_18 = arith.maximumf %add3A_16, %max3A_17 : vector<10000x64xf32>
    %get3A_19 = arith.constant 0 : index
    %get3A_20 = arith.constant 0 : index
    %get3A_21 = vector.load %arg3[%get3A_19, %get3A_20] : memref<64x64xf32, #tpu.memory_space<vmem>>, vector<64x64xf32>
    %get3A_22 = arith.constant 0 : index
    %get3A_23 = arith.constant 0 : index
    %get3A_24 = vector.load %arg4[%get3A_22, %get3A_23] : memref<64x64xf32, #tpu.memory_space<vmem>>, vector<64x64xf32>
    %get3A_25 = arith.constant 0 : index
    %get3A_26 = arith.constant 0 : index
    %get3A_27 = vector.load %arg5[%get3A_25, %get3A_26] : memref<1x64xf32, #tpu.memory_space<vmem>>, vector<1x64xf32>
    %get3A_28 = arith.constant 0 : index
    %get3A_29 = arith.constant 0 : index
    %get3A_30 = vector.load %arg6[%get3A_28, %get3A_29] : memref<1x64xf32, #tpu.memory_space<vmem>>, vector<1x64xf32>
    %get3A_31 = arith.constant 0 : index
    %get3A_32 = arith.constant 0 : index
    %get3A_33 = vector.load %arg7[%get3A_31, %get3A_32] : memref<1x64xf32, #tpu.memory_space<vmem>>, vector<1x64xf32>
    %get3A_34 = arith.constant 0 : index
    %get3A_35 = arith.constant 0 : index
    %get3A_36 = vector.load %arg8[%get3A_34, %get3A_35] : memref<1x64xf32, #tpu.memory_space<vmem>>, vector<1x64xf32>
    %get3A_37 = arith.constant 0 : index
    %get3A_38 = arith.constant 0 : index
    %get3A_39 = vector.load %arg9[%get3A_37, %get3A_38] : memref<1x64xf32, #tpu.memory_space<vmem>>, vector<1x64xf32>
    %add3A_40 = arith.constant 9.99999974E-6 : f32
    %add3A_41 = vector.broadcast %add3A_40 : f32 to vector<1x64xf32>
    %add3A_42 = arith.addf %get3A_39, %add3A_41 : vector<1x64xf32>
    %rsqrt3A = math.rsqrt %add3A_42 : vector<1x64xf32>
    %mul3A_43 = arith.mulf %get3A_30, %rsqrt3A : vector<1x64xf32>
    %mul3A_44 = vector.broadcast %mul3A_43 : vector<1x64xf32> to vector<64x64xf32>
    %mul3A_45 = arith.mulf %get3A_21, %mul3A_44 : vector<64x64xf32>
    %mul3A_46 = vector.broadcast %mul3A_43 : vector<1x64xf32> to vector<64x64xf32>
    %mul3A_47 = arith.mulf %get3A_24, %mul3A_46 : vector<64x64xf32>
    %sub3A = arith.subf %get3A_27, %get3A_36 : vector<1x64xf32>
    %mul3A_48 = arith.mulf %sub3A, %mul3A_43 : vector<1x64xf32>
    %add3A_49 = arith.addf %mul3A_48, %get3A_33 : vector<1x64xf32>
    %dot_general3A = arith.constant dense<0.000000e+00> : vector<10000x64xf32>
    %dot_general3A_50 = tpu.matmul %max3A_18, %mul3A_45, %dot_general3A {dimension_numbers = #tpu.dot_dimension_numbers<[1], [0], [0], [1], [0, 0, 1, 1], [], []>, transpose_lhs_hint = false} : vector<10000x64xf32>, vector<64x64xf32>, vector<10000x64xf32> -> vector<10000x64xf32>
    %swap3A = arith.constant 0 : index
    %swap3A_51 = arith.constant 0 : index
    %swap3A_52 = vector.load %arg10[%swap3A, %swap3A_51] : memref<10000x64xf32, #tpu.memory_space<vmem>>, vector<10000x64xf32>
    tpu.vector_store %arg10[%swap3A, %swap3A_51], %dot_general3A_50 {strides = array<i32>} : memref<10000x64xf32, #tpu.memory_space<vmem>>, vector<10000x64xf32>,
    %dot_general3A_53 = arith.constant dense<0.000000e+00> : vector<10000x64xf32>
    %dot_general3A_54 = tpu.matmul %max3A_18, %mul3A_47, %dot_general3A_53 {dimension_numbers = #tpu.dot_dimension_numbers<[1], [0], [0], [1], [0, 0, 1, 1], [], []>, transpose_lhs_hint = false} : vector<10000x64xf32>, vector<64x64xf32>, vector<10000x64xf32> -> vector<10000x64xf32>
    %add3A_55 = vector.broadcast %add3A_49 : vector<1x64xf32> to vector<10000x64xf32>
    %add3A_56 = arith.addf %dot_general3A_54, %add3A_55 : vector<10000x64xf32>
    %swap3A_57 = arith.constant 0 : index
    %swap3A_58 = arith.constant 0 : index
    %swap3A_59 = vector.load %arg11[%swap3A_57, %swap3A_58] : memref<10000x64xf32, #tpu.memory_space<vmem>>, vector<10000x64xf32>
    tpu.vector_store %arg11[%swap3A_57, %swap3A_58], %add3A_56 {strides = array<i32>} : memref<10000x64xf32, #tpu.memory_space<vmem>>, vector<10000x64xf32>,
    return
  }
}

module attributes {stable_mosaic.version = 14 : i64} {
  func.func @_k3_body(%arg0: memref<2x10048x64xf32, #tpu.memory_space<vmem>>, %arg1: memref<10000x64xf32, #tpu.memory_space<vmem>>, %arg2: memref<10000x1xf32, #tpu.memory_space<vmem>>, %arg3: memref<10000x1xi32, #tpu.memory_space<vmem>>, %arg4: memref<64x32xf32, #tpu.memory_space<vmem>>, %arg5: memref<1x32xf32, #tpu.memory_space<vmem>>, %arg6: memref<32x128xf32, #tpu.memory_space<vmem>>, %arg7: memref<1x128xf32, #tpu.memory_space<vmem>>, %arg8: memref<16x128xf32, #tpu.memory_space<vmem>>) attributes {dimension_semantics = [], scalar_prefetch = 0 : i64, scratch_operands = 0 : i64, tpu.core_type = #tpu.core_type<tc>} {
    %get3A = arith.constant 0 : index
    %get3A_0 = arith.constant 0 : index
    %get3A_1 = arith.constant 0 : index
    %get3A_2 = vector.load %arg0[%get3A, %get3A_0, %get3A_1] : memref<2x10048x64xf32, #tpu.memory_space<vmem>>, vector<1x10000x64xf32>
    %get3A_3 = vector.shape_cast %get3A_2 : vector<1x10000x64xf32> to vector<10000x64xf32>
    %get3A_4 = arith.constant 1 : index
    %get3A_5 = arith.constant 0 : index
    %get3A_6 = arith.constant 0 : index
    %get3A_7 = vector.load %arg0[%get3A_4, %get3A_5, %get3A_6] : memref<2x10048x64xf32, #tpu.memory_space<vmem>>, vector<1x10000x64xf32>
    %get3A_8 = vector.shape_cast %get3A_7 : vector<1x10000x64xf32> to vector<10000x64xf32>
    %add3A = arith.addf %get3A_3, %get3A_8 : vector<10000x64xf32>
    %get3A_9 = arith.constant 0 : index
    %get3A_10 = arith.constant 0 : index
    %get3A_11 = vector.load %arg2[%get3A_9, %get3A_10] : memref<10000x1xf32, #tpu.memory_space<vmem>>, vector<10000x1xf32>
    %mul3A = vector.broadcast %get3A_11 : vector<10000x1xf32> to vector<10000x64xf32>
    %mul3A_12 = arith.mulf %add3A, %mul3A : vector<10000x64xf32>
    %get3A_13 = arith.constant 0 : index
    %get3A_14 = arith.constant 0 : index
    %get3A_15 = vector.load %arg1[%get3A_13, %get3A_14] : memref<10000x64xf32, #tpu.memory_space<vmem>>, vector<10000x64xf32>
    %add3A_16 = arith.addf %mul3A_12, %get3A_15 : vector<10000x64xf32>
    %max3A = arith.constant 0.000000e+00 : f32
    %max3A_17 = vector.broadcast %max3A : f32 to vector<10000x64xf32>
    %max3A_18 = arith.maximumf %add3A_16, %max3A_17 : vector<10000x64xf32>
    %iota3A = tpu.iota {dimensions = array<i32: 1>} : vector<10000x16xi32>
    %get3A_19 = arith.constant 0 : index
    %get3A_20 = arith.constant 0 : index
    %get3A_21 = vector.load %arg3[%get3A_19, %get3A_20] : memref<10000x1xi32, #tpu.memory_space<vmem>>, vector<10000x1xi32>
    %eq3A = vector.broadcast %get3A_21 : vector<10000x1xi32> to vector<10000x16xi32>
    %eq3A_22 = arith.cmpi eq, %eq3A, %iota3A : vector<10000x16xi32>
    %convert_element_type3A = arith.extui %eq3A_22 : vector<10000x16xi1> to vector<10000x16xi32>
    %convert_element_type3A_23 = arith.sitofp %convert_element_type3A : vector<10000x16xi32> to vector<10000x16xf32>
    %broadcast_in_dim3A = arith.constant 1.000000e+00 : f32
    %broadcast_in_dim3A_24 = vector.broadcast %broadcast_in_dim3A : f32 to vector<10000x1xf32>
    %concatenate3A = tpu.concatenate %max3A_18, %broadcast_in_dim3A_24 in 1 : vector<10000x64xf32>, vector<10000x1xf32> -> vector<10000x65xf32>
    %dot_general3A = arith.constant dense<0.000000e+00> : vector<16x65xf32>
    %dot_general3A_25 = tpu.matmul %convert_element_type3A_23, %concatenate3A, %dot_general3A {dimension_numbers = #tpu.dot_dimension_numbers<[0], [0], [1], [1], [0, 1, 1, 1], [], []>, transpose_lhs_hint = false} : vector<10000x16xf32>, vector<10000x65xf32>, vector<16x65xf32> -> vector<16x65xf32>
    %slice3A = vector.extract_strided_slice %dot_general3A_25 {offsets = [0, 0], sizes = [16, 64], strides = [1, 1]} : vector<16x65xf32> to vector<16x64xf32>
    %slice3A_26 = vector.extract_strided_slice %dot_general3A_25 {offsets = [0, 64], sizes = [16, 1], strides = [1, 1]} : vector<16x65xf32> to vector<16x1xf32>
    %max3A_27 = arith.constant 1.000000e+00 : f32
    %max3A_28 = vector.broadcast %max3A_27 : f32 to vector<16x1xf32>
    %max3A_29 = arith.maximumf %slice3A_26, %max3A_28 : vector<16x1xf32>
    %div3A = vector.broadcast %max3A_29 : vector<16x1xf32> to vector<16x64xf32>
    %div3A_30 = arith.divf %slice3A, %div3A : vector<16x64xf32>
    %get3A_31 = arith.constant 0 : index
    %get3A_32 = arith.constant 0 : index
    %get3A_33 = vector.load %arg4[%get3A_31, %get3A_32] : memref<64x32xf32, #tpu.memory_space<vmem>>, vector<64x32xf32>
    %dot_general3A_34 = arith.constant dense<0.000000e+00> : vector<16x32xf32>
    %dot_general3A_35 = tpu.matmul %div3A_30, %get3A_33, %dot_general3A_34 {dimension_numbers = #tpu.dot_dimension_numbers<[1], [0], [0], [1], [0, 0, 1, 1], [], []>, transpose_lhs_hint = false} : vector<16x64xf32>, vector<64x32xf32>, vector<16x32xf32> -> vector<16x32xf32>
    %get3A_36 = arith.constant 0 : index
    %get3A_37 = arith.constant 0 : index
    %get3A_38 = vector.load %arg5[%get3A_36, %get3A_37] : memref<1x32xf32, #tpu.memory_space<vmem>>, vector<1x32xf32>
    %add3A_39 = vector.broadcast %get3A_38 : vector<1x32xf32> to vector<16x32xf32>
    %add3A_40 = arith.addf %dot_general3A_35, %add3A_39 : vector<16x32xf32>
    %max3A_41 = arith.constant 0.000000e+00 : f32
    %max3A_42 = vector.broadcast %max3A_41 : f32 to vector<16x32xf32>
    %max3A_43 = arith.maximumf %add3A_40, %max3A_42 : vector<16x32xf32>
    %get3A_44 = arith.constant 0 : index
    %get3A_45 = arith.constant 0 : index
    %get3A_46 = vector.load %arg6[%get3A_44, %get3A_45] : memref<32x128xf32, #tpu.memory_space<vmem>>, vector<32x128xf32>
    %dot_general3A_47 = arith.constant dense<0.000000e+00> : vector<16x128xf32>
    %dot_general3A_48 = tpu.matmul %max3A_43, %get3A_46, %dot_general3A_47 {dimension_numbers = #tpu.dot_dimension_numbers<[1], [0], [0], [1], [0, 0, 1, 1], [], []>, transpose_lhs_hint = false} : vector<16x32xf32>, vector<32x128xf32>, vector<16x128xf32> -> vector<16x128xf32>
    %get3A_49 = arith.constant 0 : index
    %get3A_50 = arith.constant 0 : index
    %get3A_51 = vector.load %arg7[%get3A_49, %get3A_50] : memref<1x128xf32, #tpu.memory_space<vmem>>, vector<1x128xf32>
    %add3A_52 = vector.broadcast %get3A_51 : vector<1x128xf32> to vector<16x128xf32>
    %add3A_53 = arith.addf %dot_general3A_48, %add3A_52 : vector<16x128xf32>
    %swap3A = arith.constant 0 : index
    %swap3A_54 = arith.constant 0 : index
    %swap3A_55 = vector.load %arg8[%swap3A, %swap3A_54] : memref<16x128xf32, #tpu.memory_space<vmem>>, vector<16x128xf32>
    tpu.vector_store %arg8[%swap3A, %swap3A_54], %add3A_53 {strides = array<i32>} : memref<16x128xf32, #tpu.memory_space<vmem>>, vector<16x128xf32>,
    return
  }
}

</mosaic_0001>

<sc_bundles>
// kernel: kernel.10.cloned.1.call-start
scs
__scs_entry_jumppad:
0x0: {  	(pc) =	sbr.rel $0x88, $3  }
0x1: {  	(tag) =	ssettag $0x0;
	lr =	simm.s32 $0x1  }
0x2: {  	[smem:$0x3F85] =	sst lr;
	_ =	strace $0xD0000000  }
0x3: {  	_ = 	snop  }
0x4: {  	_ = 	snop  }
0x5: {  	_ = 	snop  }
0x6: {  	_ = 	snop  }
0x7: {  	_ = 	snop  }
__scs_overlays_trampoline_lowered:
0x8: {  	[smem:$0x3F94] =	sst s0  }
0x9: {  	[smem:$0x3F95] =	sst s1  }
0xa: {  	[smem:$0x3F96] =	sst s2  }
0xb: {  	[smem:$0x3F97] =	sst s3  }
0xc: {  	[smem:$0x3F98] =	sst s4  }
0xd: {  	[smem:$0x3F99] =	sst s5  }
0xe: {  	[smem:$0x3F9A] =	sst s6  }
0xf: {  	[smem:$0x3F9B] =	sst s7  }
0x10: {  	[smem:$0x3F9C] =	sst s8  }
0x11: {  	[smem:$0x3F9D] =	sst s9;
	s0 =	simm.s32 @!p0 $0x0  }
0x12: {  	s1 =	sld [smem:$0x3F83];
	s0 =	simm.s32 @p0 $0x1  }
0x13: {  	[smem:$0x3F9E] =	sst s0;
	s0 =	simm.s32 @!p1 $0x0  }
0x14: {  	s2 =	sld [smem:$0x3F82];
	s0 =	simm.s32 @p1 $0x1  }
0x15: {  	[smem:$0x3F9F] =	sst s0;
	s0 =	simm.s32 @!p2 $0x0  }
0x16: {  	s3 =	sld [smem:$0x3FDB];
	s0 =	simm.s32 @p2 $0x1  }
0x17: {  	s4 =	simm.s32 $0x1BF5;
	[smem:$0x3FA1] =	sst s0  }
0x18: {  	s0 =	sld [smem:$0x3F84];
	_ =	swait.ge [sflag:s4], $0x0  }
0x19: {  	s7 =	sld [smem:$0x3F85]  }
0x1a: {  	s8 =	sadd.s32 $0xFFFFE003, lr  }
0x1b: {  	s9 =	sadd.s32 $0xFFFFFEF7, lr;
	s5 =	simm.s32 $0xFFFFFFFF;
	p2 =	slt.u32 s8, $0xFFFFF086  }
0x1c: {  	p1 =	slt.u32 s9, $0xF7A;
	s5 =	simm.s32 @!p2 $0x0  }
0x1d: {  	s5 =	simm.s32 @p1 $0x1;
	p0 =	seq.s32 s7, s2  }
0x1e: {  	s7 =	smul.u32 @!p0 $0xF7A, s2;
	p2 =	seq.s32 @!p0 s5, $0x0  }
0x1f: {  	s9 =	smul.u32 $0xF7A, s1;
	s8 =	simm.s32 @!p0 $0x1BF5;
	p2 =	por !p2, p0  }
0x20: {  	[sflag:s8] =	ssyncset.s32 @!p0 $0xFFFFF086;
	s6 =	sadd.s32 @!p0 s3, s7;
	s7 =	simm.s32 @!p0 $0x108  }
0x21: {  	s3 =	sadd.s32 s3, s9;
	s6 =	sadd.s32 @!p0 $0x88, s6;
	s7 =	simm.s32 @p2 $0x1082  }
0x22: {  	[simem:s7], [sflag:s8] =	dma.local @!p0 [hbm:s6], $0xF7A  }
0x23: {  	s9 =	sor.u32 $0xD0000000, s2;
	s6 =	simm.s32 $0x108;
	_ =	swait.ge @!p0 [sflag:s8], $0x0  }
0x24: {  	s3 =	sadd.s32 $0x88, s3;
	s6 =	simm.s32 @!p1 $0x1082;
	[sflag:s4] =	ssyncset.s32 $0xFFFFF086  }
0x25: {  	[simem:s6], [sflag:s4] =	dma.local [hbm:s3], $0xF7A  }
0x26: {  	[smem:$0x3F85] =	sst s1;
	(tag) =	ssettag s2;
	_ =	strace s9  }
0x27: {  	s1 =	sld [smem:$0x3F95]  }
0x28: {  	s2 =	sld [smem:$0x3F96]  }
0x29: {  	s4 =	sld [smem:$0x3F98]  }
0x2a: {  	p0 =	seq.s32 s5, $0x0;
	s5 =	sld [smem:$0x3F99]  }
0x2b: {  	s6 =	sld [smem:$0x3F9A]  }
0x2c: {  	s7 =	sld [smem:$0x3F9B]  }
0x2d: {  	s3 =	simm.s32 $0x108;
	s8 =	sld [smem:$0x3F9C]  }
0x2e: {  	s3 =	simm.s32 @!p0 $0x1082;
	s9 =	sld [smem:$0x3F9D]  }
0x2f: {  	lr =	sadd.s32 s0, s3;
	s0 =	sld [smem:$0x3F94]  }
0x30: {  	s3 =	sld [smem:$0x3F97]  }
0x31: {  	[smem:$0x3FA0] =	sst s10  }
0x32: {  	s10 =	sld [smem:$0x3F9E];
	_ =	sdelay $0x3  }
0x33: {  	p0 =	seq.s32 s10, $0x1;
	s10 =	sld [smem:$0x3FA0];
	_ =	sdelay $0x3  }
0x34: {  	[smem:$0x3FA0] =	sst s10  }
0x35: {  	s10 =	sld [smem:$0x3F9F];
	_ =	sdelay $0x3  }
0x36: {  	p1 =	seq.s32 s10, $0x1;
	s10 =	sld [smem:$0x3FA0];
	_ =	sdelay $0x3  }
0x37: {  	[smem:$0x3FA0] =	sst s10  }
0x38: {  	s10 =	sld [smem:$0x3FA1]  }
0x39: {  	_ = 	snop;
	(pc) =	sbr.ind lr, $3  }
0x3a: {  	_ = 	snop  }
0x3b: {  	_ = 	snop  }
0x3c: {  	p2 =	seq.s32 s10, $0x1;
	s10 =	sld [smem:$0x3FA0]  }
0x3d: {  	_ =	shalt  }
0x3e: {  	_ =	shalt  }
0x3f: {  	_ =	shalt  }
0x40: {  	_ =	shalt  }
0x41: {  	_ =	shalt  }
0x42: {  	_ =	shalt  }
0x43: {  	_ =	shalt  }
0x44: {  	_ =	shalt  }
0x45: {  	_ =	shalt  }
0x46: {  	_ =	shalt  }
0x47: {  	_ =	shalt  }
0x48: {  	_ =	shalt  }
0x49: {  	_ =	shalt  }
0x4a: {  	_ =	shalt  }
0x4b: {  	_ =	shalt  }
0x4c: {  	_ =	shalt  }
0x4d: {  	_ =	shalt  }
0x4e: {  	_ =	shalt  }
0x4f: {  	_ =	shalt  }
0x50: {  	_ =	shalt  }
0x51: {  	_ =	shalt  }
0x52: {  	_ =	shalt  }
0x53: {  	_ =	shalt  }
0x54: {  	_ =	shalt  }
0x55: {  	_ =	shalt  }
0x56: {  	_ =	shalt  }
0x57: {  	_ =	shalt  }
0x58: {  	_ =	shalt  }
0x59: {  	_ =	shalt  }
0x5a: {  	_ =	shalt  }
0x5b: {  	_ =	shalt  }
0x5c: {  	_ =	shalt  }
0x5d: {  	_ =	shalt  }
0x5e: {  	_ =	shalt  }
0x5f: {  	_ =	shalt  }
0x60: {  	_ =	shalt  }
0x61: {  	_ =	shalt  }
0x62: {  	_ =	shalt  }
0x63: {  	_ =	shalt  }
0x64: {  	_ =	shalt  }
0x65: {  	_ =	shalt  }
0x66: {  	_ =	shalt  }
0x67: {  	_ =	shalt  }
0x68: {  	_ =	shalt  }
0x69: {  	_ =	shalt  }
0x6a: {  	_ =	shalt  }
0x6b: {  	_ =	shalt  }
0x6c: {  	_ =	shalt  }
0x6d: {  	_ =	shalt  }
0x6e: {  	_ =	shalt  }
0x6f: {  	_ =	shalt  }
0x70: {  	_ =	shalt  }
0x71: {  	_ =	shalt  }
0x72: {  	_ =	shalt  }
0x73: {  	_ =	shalt  }
0x74: {  	_ =	shalt  }
0x75: {  	_ =	shalt  }
0x76: {  	_ =	shalt  }
0x77: {  	_ =	shalt  }
0x78: {  	_ =	shalt  }
0x79: {  	_ =	shalt  }
0x7a: {  	_ =	shalt  }
0x7b: {  	_ =	shalt  }
0x7c: {  	_ =	shalt  }
0x7d: {  	_ =	shalt  }
0x7e: {  	_ =	shalt  }
0x7f: {  	_ =	shalt  }
0x80: {  	_ =	shalt  }
0x81: {  	_ =	shalt  }
0x82: {  	_ =	shalt  }
0x83: {  	_ =	shalt  }
0x84: {  	_ =	shalt  }
0x85: {  	_ =	shalt  }
0x86: {  	_ =	shalt  }
0x87: {  	_ =	shalt  }
.Lfunc_end0:
.L_simem_size_0:
called_computation_lowered:
.L_overlay_start_0:
0x88: {  	s2 =	sld [smem:$0x3FD9]  }
0x89: {  	s3 =	sld [smem:$0x3FFE];
	_ =	sdelay $0x1  }
0x8a: {  	s1 =	srdreg.scid  }
0x8b: {  	s0 =	sand.u32 $0x1, s1  }
0x8c: {  	s17 =	sshll.u32 s0, $0xA;
	s2 =	sadd.s32 s3, s2  }
0x8d: {  	s2 =	sadd.s32 s2, s17  }
0x8e: {  	[smem:$0x3FAC] =	sst s2  }
0x8f: {  	_ = 	snop  }
0x90: {  	(tm) =	ssettm $0x1  }
0x91: {  	s18 =	sld [smem:$0x3FFB];
	_ =	sdelay $0x3  }
0x92: {  	_ =	strace s18  }
0x93: {  	s2 =	sld [smem:$0x3FFC];
	_ =	sdelay $0x3  }
0x94: {  	_ =	strace s2  }
0x95: {  	s2 =	sld [smem:$0x3FFD];
	_ =	sdelay $0x3  }
0x96: {  	_ =	strace s2  }
0x97: {  	_ =	strace $0x8FFFFFFF  }
0x98: {  	s19 =	sld [smem:$0x3FDB];
	_ =	sdelay $0x1  }
0x99: {  	s20 =	simm.s32 $_scs_section_size  }
0x9a: {  	s4 =	simm.s32 $_size__tile_overlayer_lowered;
	s5 =	simm.s32 $_tile_overlayer_lowered  }
0x9b: {  	s6 =	simm.s32 $0x1BFF;
	s21 =	sshll.u32 s5, $0x1;
	s3 =	sadd.s32 s20, s19  }
0x9c: {  	s22 =	simm.s32 $0x0;
	s4 =	sshll.u32 s4, $0x1;
	s5 =	sadd.s32 s21, s3  }
0x9d: {  	[timem:s22], [sflag:s6] =	dma.local [hbm:s5], s4  }
0x9e: {  	_ =	swait.ge [sflag:s6], s4  }
0x9f: {  	s4 =	ssub.s32 $0x0, s4;
	[sflag:s6] =	ssyncset.done $0x0  }
0xa0: {  	[sflag:s6] =	ssyncadd.s32 s4;
	_ =	sdelay $0x1  }
0xa1: {  	s23 =	simm.s32 $0x1B8B  }
0xa2: {  	_ =	swait.ge [sflag:s23], $0x1  }
0xa3: {  	[sflag:s23] =	ssyncset.done $0x0  }
0xa4: {  	[sflag:s23] =	ssyncadd.s32 $0xFFFFFFFF  }
0xa5: {  	s4 =	sld [smem:$0x0]  }
0xa6: {  	s5 =	sand.u32 $0xFFFFFFFE, s1  }
0xa7: {  	p0 =	sne.s32 s1, s5  }
0xa8: {  	s5 =	sshll.u32 @p0 s5, $0xE  }
0xa9: {  	s5 =	sadd.s32 @p0 $0x11B8D, s5;
	s6 =	sshll.u32 @p0 s4, $0x11  }
0xaa: {  	s5 =	sor.u32 @p0 s6, s5  }
0xab: {  	[sflag:s5] =	ssyncadd.remote.s32 @p0 $0x1;
	_ =	sdelay $0x1  }
0xac: {  	s5 =	simm.s32 @p0 $0x1B8D  }
0xad: {  	_ =	swait.eq @p0 [sflag:s5], $0x1  }
0xae: {  	[sflag:s5] =	ssyncadd.s32 @p0 $0xFFFFFFFF  }
0xaf: {  	s6 =	sshll.u32 @!p0 s1, $0xE  }
0xb0: {  	s6 =	sor.u32 @!p0 $0x4000, s6;
	s5 =	simm.s32 @!p0 $0x1B8D  }
0xb1: {  	s4 =	sshll.u32 @!p0 s4, $0x11;
	s6 =	sadd.s32 @!p0 $0x11B8D, s6;
	_ =	swait.eq @!p0 [sflag:s5], $0x1  }
0xb2: {  	s4 =	sor.u32 @!p0 s4, s6;
	[sflag:s5] =	ssyncadd.s32 @!p0 $0xFFFFFFFF  }
0xb3: {  	s25 =	simm.s32 $0x1B8E;
	s24 =	sld [smem:$0x3FFE];
	[sflag:s4] =	ssyncadd.remote.s32 @!p0 $0x1  }
0xb4: {  	s26 =	simm.s32 $execute0_lowered;
	[smem:$0x3FD2] =	sst s25  }
0xb5: {  	s5 =	sshll.u32 s26, $0x1;
	_ =	strace $0x80000049;
	[dreg:$0x1] =	wrdreg $0xFFFFFFFF  }
0xb6: {  	s28 =	simm.s32 $_size_execute0_lowered;
	s3 =	sadd.s32 s3, s5;
	[dreg:$0x0] =	wrdreg $0x0  }
0xb7: {  	s5 =	sshll.u32 s28, $0x1;
	[dreg:$0x2] =	wrdreg s3  }
0xb8: {  	[dreg:$0x3] =	wrdreg s5  }
0xb9: {  	[dreg:$0x4] =	wrdreg $0xC0  }
0xba: {  	_ =	task [dreg:s22], $0x5FFFF  }
0xbb: {  	[dreg:$0x1] =	wrdreg $0xFFFFFFFF  }
0xbc: {  	[dreg:$0x0] =	wrdreg $0x60  }
0xbd: {  	[dreg:$0x2] =	wrdreg s24  }
0xbe: {  	[dreg:$0x3] =	wrdreg $0x35000  }
0xbf: {  	[dreg:$0x4] =	wrdreg $0x9  }
0xc0: {  	_ =	task.clear_ibuf [dreg:s22], $0x5FFFF;
	_ =	strace $0x90000049  }
0xc1: {  	s29 =	simm.s32 $0x9;
	_ =	strace $0x8000004B  }
0xc2: {  	_ =	swait.ge [sflag:s29], $0x1  }
0xc3: {  	[sflag:s29] =	ssyncadd.s32 $0xFFFFFFFF  }
0xc4: {  	_ =	strace $0x9000004B  }
0xc5: {  	_ =	sfence  }
0xc6: {  	s30 =	sld [smem:$0x0];
	_ =	sdelay $0x2  }
0xc7: {  	s31 =	sshll.u32 s1, $0xD;
	s1 =	sshrl.u32 s1, $0x2  }
0xc8: {  	s4 =	sand.u32 $0x4000, s31;
	s1 =	sadd.s32 s1, s30  }
0xc9: {  	s0 =	sor.u32 s4, s0;
	s1 =	sshll.u32 s1, $0x11  }
0xca: {  	s0 =	sor.u32 s1, s0  }
0xcb: {  	s0 =	sadd.s32 $0x8F2B, s0  }
0xcc: {  	[sflag:s0] =	ssyncadd.remote.s32 $0x1  }
0xcd: {  	_ =	sfence.sel $0xFFFF  }
0xce: {  	[dreg:$0x0] =	wrdreg $0xFFFFFFFF;
	(pc) =	sbr.abs _section_cstart, $3  }
0xcf: {  	[dreg:$0x1] =	wrdreg $0xFFFFFFFF  }
0xd0: {  	_ =	task.clear_ibuf [dreg:s22], $0x2FFFF;
	_ =	strace $0x9FFFFFFF  }
0xd1: {  	(tm) =	ssettm $0x7FFFFFFF  }
tec
execute0_lowered:
.L_overlay_start_1:
0x0: {  	(tag) =	ssettag $0x1  }
0x1: {  	s1 =	srdreg.scid;
	s6 =	rddreg [dreg:$0x0]  }
0x2: {  	s0 =	stileid.u32;
	s2 =	rddreg [dreg:$0x1];
	s3 =	simm.s32 $0x0  }
0x3: {  	s13 =	simm.s32 $0x2D00;
	s14 =	simm.s32 $0x80;
	s4 =	smul.u32 $0x5A00, s0  }
0x4: {  	s7 =	sand.u32 $0x1, s1;
	s1 =	rddreg [dreg:$0x2];
	s8 =	smul.u32 $0x2740, s0  }
0x5: {  	s15 =	simm.s32 $0x0;
	[smem:$0x7FF] =	sst s3;
	s5 =	smul.u32 $0x2D00, s7  }
0x6: {  	s31 =	sshll.u32 s0, $0x6;
	s29 =	smul.u32 $0x27400, s7;
	_ =	strace $0x8000004A  }
0x7: {  	s11 =	ssub.s32 $0x2, s7;
	p0 =	seq.s32 s7, $0x0;
	s7 =	simm.s32 $0x5A  }
0x8: {  	s30 =	sshrl.u32 s11, $0x1;
	s12 =	sadd.s32 s8, s2;
	s7 =	simm.s32 @!p0 $0x46  }
0x9: {  	s4 =	sadd.s32 s5, s4;
	s5 =	sadd.s32 s8, s29;
	s11 =	ssub.s32 s11, s30  }
0xa: {  	s4 =	sshrl.u32 s4, $0x3;
	s10 =	sshrl.u32 s5, $0x3;
	s5 =	sadd.s32 $0x57400, s6  }
0xb: {  	s9 =	sadd.s32 s4, s6;
	s4 =	sadd.s32 $0x56E00, s6;
	s10 =	sadd.s32 s10, s6  }
0xc: {  	s6 =	sor.u32 $0x1C01, s31;
	s8 =	sadd.s32 $0x4400, s9;
	s9 =	sadd.s32 $0x57600, s10  }
0xd: {  	s10 =	smax.u32 s11, $0x1;
	s11 =	sshrl.u32 s12, $0x3;
	s12 =	simm.s32 $0x1  }
.LBB2_1:
0xe: {  	[spmem:s11], [sflag:s6] =	dma.local [hbm:s4], $0x4E8  }
0xf: {  	_ =	swait.ge [sflag:s12], $0x4E8  }
0x10: {  	[sflag:s12] =	ssyncset.done $0x0  }
0x11: {  	[sflag:s12] =	ssyncadd.s32 $0xFFFFFB18  }
0x12: {  	[tilespmem:s13], [sflag:$0x1] =	stream.linear.gather [hbm4b:s5+s3], $0x800, $0x38;
	[tilespmem:$0x5C40] =	vst v63  }
0x13: {  	_ =	swait.ge [sflag:s12], $0x800  }
0x14: {  	[sflag:s12] =	ssyncset.done $0x0  }
0x15: {  	[sflag:s12] =	ssyncadd.s32 $0xFFFFF800  }
0x16: {  	[tilespmem:s3], [sflag:$0x1] =	stream.linear.gather [hbm4b:s8+s3], $0x2D00, $0x38;
	[tilespmem:$0x5C40] =	vst v63  }
0x17: {  	_ =	swait.ge [sflag:s12], $0x2D00  }
0x18: {  	p0 =	sne.s32 s7, $0x1;
	[sflag:s12] =	ssyncset.done $0x0  }
.Ltmp0:
0x19: {  	[sflag:s12] =	ssyncadd.s32 $0xFFFFD300;
	(pc) =	sbr.rel @!p0 .LBB2_3-.Ltmp0, $4  }
0x1a: {  	[bflag:$0x0] =	sbarrier.arrive $0xFFFF  }
0x1b: {  	[spmem:s2] =	stream.indirect.scatter.add.f32 [tilespmem:s13], [sflag:$0x1], $0x10, s3, s14, $0xb8;
	[tilespmem:$0x5C40] =	vst v63  }
0x1c: {  	_ =	swait.ge [sflag:s12], $0x800  }
0x1d: {  	s16 =	sadd.s32 $0xFFFFFFFF, s7;
	s17 =	simm.s32 $0x0;
	[sflag:s12] =	ssyncset.done $0x0  }
.LBB2_2:
0x1e: {  	p0 =	sne.s32 s16, $0x1;
	[sflag:s12] =	ssyncadd.s32 $0xFFFFF800;
	s17 =	sadd.s32 $0x80, s17  }
.Ltmp1:
0x1f: {  	s16 =	sadd.s32 $0xFFFFFFFF, s16;
	(pc) =	sbr.rel @p0 .LBB2_2-.Ltmp1, $4  }
0x20: {  	_ = 	snop  }
0x21: {  	[spmem:s2] =	stream.indirect.scatter.add.f32 [tilespmem:s13], [sflag:$0x1], $0x10, s17, s14, $0xb8;
	[tilespmem:$0x5C40] =	vst v63  }
0x22: {  	_ =	swait.ge [sflag:s12], $0x800  }
0x23: {  	[sflag:s12] =	ssyncset.done $0x0  }
.LBB2_3:
0x24: {  	s15 =	sadd.s32 $0x1, s15  }
0x25: {  	[sflag:s12] =	ssyncadd.s32 $0xFFFFF800;
	p0 =	sne.s32 s15, s10  }
.Ltmp2:
0x26: {  	[bflag:$0x0] =	sbarrier.arrive $0xFFFF;
	(pc) =	sbr.rel @p0 .LBB2_1-.Ltmp2, $4  }
0x27: {  	[hbm:s9], [sflag:s6] =	dma.local [spmem:s11], $0x4E8  }
0x28: {  	_ =	swait.ge [sflag:s12], $0x4E8  }
0x29: {  	[sflag:s12] =	ssyncset.done $0x0  }
0x2a: {  	[sflag:s12] =	ssyncadd.s32 $0xFFFFFB18  }
0x2b: {  	_ =	sfence.sel $0x180000  }
0x2c: {  	[bflag:$0x0] =	sbarrier.arrive $0xFFFF  }
0x2d: {  	p0 =	sne.s32 s0, $0x0;
	_ =	strace $0x9000004A  }
0x2e: {  	s0 =	sadd.s32 @!p0 $0x100000, s1;
	[bflag:$0x2] =	sbarrier.arrive $0xFFFF  }
0x2f: {  	[sflag:s0] =	ssyncadd.tile.s32 @!p0 $0x1;
	_ =	shalt  }
.Lfunc_end2:
_tile_overlayer_lowered:
.L_overlay_start_2:
0x30: {  	(tag) =	ssettag $0x2  }
0x31: {  	s0 =	rddreg [dreg:$0x0];
	s2 =	stileid.u32  }
0x32: {  	s1 =	rddreg [dreg:$0x1];
	p0 =	sne.s32 s2, $0x0  }
0x33: {  	s3 =	rddreg [dreg:$0x2];
	[bflag:$0x3] =	sbarrier.arrive $0xFFFF;
	s2 =	simm.s32 @!p0 $0x1C01  }
0x34: {  	[timem:s3], [sflag:s2] =	dma.local @!p0 [hbm:s0], s1  }
0x35: {  	s0 =	simm.s32 @!p0 $0x1  }
0x36: {  	_ =	swait.ge @!p0 [sflag:s0], s1  }
0x37: {  	s1 =	ssub.s32 @!p0 $0x0, s1;
	[sflag:s0] =	ssyncset.done @!p0 $0x0  }
0x38: {  	[sflag:s0] =	ssyncadd.s32 @!p0 s1  }
0x39: {  	[bflag:$0x3] =	sbarrier.arrive $0xFFFF  }
0x3a: {  	_ =	shalt  }

// kernel: kernel.13.cloned.1.call-start
scs
__scs_entry_jumppad:
0x0: {  	(pc) =	sbr.rel $0x88, $3  }
0x1: {  	(tag) =	ssettag $0x0;
	lr =	simm.s32 $0x1  }
0x2: {  	[smem:$0x3F85] =	sst lr;
	_ =	strace $0xD0000000  }
0x3: {  	_ = 	snop  }
0x4: {  	_ = 	snop  }
0x5: {  	_ = 	snop  }
0x6: {  	_ = 	snop  }
0x7: {  	_ = 	snop  }
__scs_overlays_trampoline_lowered:
0x8: {  	[smem:$0x3F94] =	sst s0  }
0x9: {  	[smem:$0x3F95] =	sst s1  }
0xa: {  	[smem:$0x3F96] =	sst s2  }
0xb: {  	[smem:$0x3F97] =	sst s3  }
0xc: {  	[smem:$0x3F98] =	sst s4  }
0xd: {  	[smem:$0x3F99] =	sst s5  }
0xe: {  	[smem:$0x3F9A] =	sst s6  }
0xf: {  	[smem:$0x3F9B] =	sst s7  }
0x10: {  	[smem:$0x3F9C] =	sst s8  }
0x11: {  	[smem:$0x3F9D] =	sst s9;
	s0 =	simm.s32 @!p0 $0x0  }
0x12: {  	s1 =	sld [smem:$0x3F83];
	s0 =	simm.s32 @p0 $0x1  }
0x13: {  	[smem:$0x3F9E] =	sst s0;
	s0 =	simm.s32 @!p1 $0x0  }
0x14: {  	s2 =	sld [smem:$0x3F82];
	s0 =	simm.s32 @p1 $0x1  }
0x15: {  	[smem:$0x3F9F] =	sst s0;
	s0 =	simm.s32 @!p2 $0x0  }
0x16: {  	s3 =	sld [smem:$0x3FDB];
	s0 =	simm.s32 @p2 $0x1  }
0x17: {  	s4 =	simm.s32 $0x1BF5;
	[smem:$0x3FA1] =	sst s0  }
0x18: {  	s0 =	sld [smem:$0x3F84];
	_ =	swait.ge [sflag:s4], $0x0  }
0x19: {  	s7 =	sld [smem:$0x3F85]  }
0x1a: {  	s8 =	sadd.s32 $0xFFFFE003, lr  }
0x1b: {  	s9 =	sadd.s32 $0xFFFFFEF7, lr;
	s5 =	simm.s32 $0xFFFFFFFF;
	p2 =	slt.u32 s8, $0xFFFFF086  }
0x1c: {  	p1 =	slt.u32 s9, $0xF7A;
	s5 =	simm.s32 @!p2 $0x0  }
0x1d: {  	s5 =	simm.s32 @p1 $0x1;
	p0 =	seq.s32 s7, s2  }
0x1e: {  	s7 =	smul.u32 @!p0 $0xF7A, s2;
	p2 =	seq.s32 @!p0 s5, $0x0  }
0x1f: {  	s9 =	smul.u32 $0xF7A, s1;
	s8 =	simm.s32 @!p0 $0x1BF5;
	p2 =	por !p2, p0  }
0x20: {  	[sflag:s8] =	ssyncset.s32 @!p0 $0xFFFFF086;
	s6 =	sadd.s32 @!p0 s3, s7;
	s7 =	simm.s32 @!p0 $0x108  }
0x21: {  	s3 =	sadd.s32 s3, s9;
	s6 =	sadd.s32 @!p0 $0x88, s6;
	s7 =	simm.s32 @p2 $0x1082  }
0x22: {  	[simem:s7], [sflag:s8] =	dma.local @!p0 [hbm:s6], $0xF7A  }
0x23: {  	s9 =	sor.u32 $0xD0000000, s2;
	s6 =	simm.s32 $0x108;
	_ =	swait.ge @!p0 [sflag:s8], $0x0  }
0x24: {  	s3 =	sadd.s32 $0x88, s3;
	s6 =	simm.s32 @!p1 $0x1082;
	[sflag:s4] =	ssyncset.s32 $0xFFFFF086  }
0x25: {  	[simem:s6], [sflag:s4] =	dma.local [hbm:s3], $0xF7A  }
0x26: {  	[smem:$0x3F85] =	sst s1;
	(tag) =	ssettag s2;
	_ =	strace s9  }
0x27: {  	s1 =	sld [smem:$0x3F95]  }
0x28: {  	s2 =	sld [smem:$0x3F96]  }
0x29: {  	s4 =	sld [smem:$0x3F98]  }
0x2a: {  	p0 =	seq.s32 s5, $0x0;
	s5 =	sld [smem:$0x3F99]  }
0x2b: {  	s6 =	sld [smem:$0x3F9A]  }
0x2c: {  	s7 =	sld [smem:$0x3F9B]  }
0x2d: {  	s3 =	simm.s32 $0x108;
	s8 =	sld [smem:$0x3F9C]  }
0x2e: {  	s3 =	simm.s32 @!p0 $0x1082;
	s9 =	sld [smem:$0x3F9D]  }
0x2f: {  	lr =	sadd.s32 s0, s3;
	s0 =	sld [smem:$0x3F94]  }
0x30: {  	s3 =	sld [smem:$0x3F97]  }
0x31: {  	[smem:$0x3FA0] =	sst s10  }
0x32: {  	s10 =	sld [smem:$0x3F9E];
	_ =	sdelay $0x3  }
0x33: {  	p0 =	seq.s32 s10, $0x1;
	s10 =	sld [smem:$0x3FA0];
	_ =	sdelay $0x3  }
0x34: {  	[smem:$0x3FA0] =	sst s10  }
0x35: {  	s10 =	sld [smem:$0x3F9F];
	_ =	sdelay $0x3  }
0x36: {  	p1 =	seq.s32 s10, $0x1;
	s10 =	sld [smem:$0x3FA0];
	_ =	sdelay $0x3  }
0x37: {  	[smem:$0x3FA0] =	sst s10  }
0x38: {  	s10 =	sld [smem:$0x3FA1]  }
0x39: {  	_ = 	snop;
	(pc) =	sbr.ind lr, $3  }
0x3a: {  	_ = 	snop  }
0x3b: {  	_ = 	snop  }
0x3c: {  	p2 =	seq.s32 s10, $0x1;
	s10 =	sld [smem:$0x3FA0]  }
0x3d: {  	_ =	shalt  }
0x3e: {  	_ =	shalt  }
0x3f: {  	_ =	shalt  }
0x40: {  	_ =	shalt  }
0x41: {  	_ =	shalt  }
0x42: {  	_ =	shalt  }
0x43: {  	_ =	shalt  }
0x44: {  	_ =	shalt  }
0x45: {  	_ =	shalt  }
0x46: {  	_ =	shalt  }
0x47: {  	_ =	shalt  }
0x48: {  	_ =	shalt  }
0x49: {  	_ =	shalt  }
0x4a: {  	_ =	shalt  }
0x4b: {  	_ =	shalt  }
0x4c: {  	_ =	shalt  }
0x4d: {  	_ =	shalt  }
0x4e: {  	_ =	shalt  }
0x4f: {  	_ =	shalt  }
0x50: {  	_ =	shalt  }
0x51: {  	_ =	shalt  }
0x52: {  	_ =	shalt  }
0x53: {  	_ =	shalt  }
0x54: {  	_ =	shalt  }
0x55: {  	_ =	shalt  }
0x56: {  	_ =	shalt  }
0x57: {  	_ =	shalt  }
0x58: {  	_ =	shalt  }
0x59: {  	_ =	shalt  }
0x5a: {  	_ =	shalt  }
0x5b: {  	_ =	shalt  }
0x5c: {  	_ =	shalt  }
0x5d: {  	_ =	shalt  }
0x5e: {  	_ =	shalt  }
0x5f: {  	_ =	shalt  }
0x60: {  	_ =	shalt  }
0x61: {  	_ =	shalt  }
0x62: {  	_ =	shalt  }
0x63: {  	_ =	shalt  }
0x64: {  	_ =	shalt  }
0x65: {  	_ =	shalt  }
0x66: {  	_ =	shalt  }
0x67: {  	_ =	shalt  }
0x68: {  	_ =	shalt  }
0x69: {  	_ =	shalt  }
0x6a: {  	_ =	shalt  }
0x6b: {  	_ =	shalt  }
0x6c: {  	_ =	shalt  }
0x6d: {  	_ =	shalt  }
0x6e: {  	_ =	shalt  }
0x6f: {  	_ =	shalt  }
0x70: {  	_ =	shalt  }
0x71: {  	_ =	shalt  }
0x72: {  	_ =	shalt  }
0x73: {  	_ =	shalt  }
0x74: {  	_ =	shalt  }
0x75: {  	_ =	shalt  }
0x76: {  	_ =	shalt  }
0x77: {  	_ =	shalt  }
0x78: {  	_ =	shalt  }
0x79: {  	_ =	shalt  }
0x7a: {  	_ =	shalt  }
0x7b: {  	_ =	shalt  }
0x7c: {  	_ =	shalt  }
0x7d: {  	_ =	shalt  }
0x7e: {  	_ =	shalt  }
0x7f: {  	_ =	shalt  }
0x80: {  	_ =	shalt  }
0x81: {  	_ =	shalt  }
0x82: {  	_ =	shalt  }
0x83: {  	_ =	shalt  }
0x84: {  	_ =	shalt  }
0x85: {  	_ =	shalt  }
0x86: {  	_ =	shalt  }
0x87: {  	_ =	shalt  }
.Lfunc_end0:
.L_simem_size_0:
called_computation.1_lowered:
.L_overlay_start_0:
0x88: {  	s2 =	sld [smem:$0x3FD9]  }
0x89: {  	s3 =	sld [smem:$0x3FFE];
	_ =	sdelay $0x1  }
0x8a: {  	s1 =	srdreg.scid  }
0x8b: {  	s0 =	sand.u32 $0x1, s1  }
0x8c: {  	s16 =	sshll.u32 s0, $0xA;
	s2 =	sadd.s32 s3, s2  }
0x8d: {  	s2 =	sadd.s32 s2, s16  }
0x8e: {  	[smem:$0x3FAC] =	sst s2  }
0x8f: {  	_ = 	snop  }
0x90: {  	(tm) =	ssettm $0x1  }
0x91: {  	s17 =	sld [smem:$0x3FFB];
	_ =	sdelay $0x3  }
0x92: {  	_ =	strace s17  }
0x93: {  	s2 =	sld [smem:$0x3FFC];
	_ =	sdelay $0x3  }
0x94: {  	_ =	strace s2  }
0x95: {  	s2 =	sld [smem:$0x3FFD];
	_ =	sdelay $0x3  }
0x96: {  	_ =	strace s2  }
0x97: {  	_ =	strace $0x8FFFFFFF  }
0x98: {  	s18 =	sld [smem:$0x3FDB];
	_ =	sdelay $0x1  }
0x99: {  	s19 =	simm.s32 $_scs_section_size  }
0x9a: {  	s4 =	simm.s32 $_size__tile_overlayer_lowered;
	s5 =	simm.s32 $_tile_overlayer_lowered  }
0x9b: {  	s22 =	simm.s32 $0x1BFF;
	s21 =	sshll.u32 s5, $0x1;
	s2 =	sadd.s32 s19, s18  }
0x9c: {  	s6 =	simm.s32 $0x0;
	s20 =	sshll.u32 s4, $0x1;
	s4 =	sadd.s32 s21, s2  }
0x9d: {  	[timem:s6], [sflag:s22] =	dma.local [hbm:s4], s20  }
0x9e: {  	_ =	swait.ge [sflag:s22], s20  }
0x9f: {  	s3 =	ssub.s32 $0x0, s20;
	[sflag:s22] =	ssyncset.done $0x0  }
0xa0: {  	[sflag:s22] =	ssyncadd.s32 s3;
	_ =	sdelay $0x1  }
0xa1: {  	s23 =	simm.s32 $0x1B8B  }
0xa2: {  	_ =	swait.ge [sflag:s23], $0x1  }
0xa3: {  	[sflag:s23] =	ssyncset.done $0x0  }
0xa4: {  	s25 =	simm.s32 $0x1B8E;
	s24 =	sld [smem:$0x3FFE];
	[sflag:s23] =	ssyncadd.s32 $0xFFFFFFFF  }
0xa5: {  	s26 =	simm.s32 $execute0_lowered;
	[smem:$0x3FD2] =	sst s25  }
0xa6: {  	s4 =	sshll.u32 s26, $0x1;
	_ =	strace $0x80000046;
	[dreg:$0x1] =	wrdreg $0xFFFFFFFF  }
0xa7: {  	s28 =	simm.s32 $_size_execute0_lowered;
	s2 =	sadd.s32 s2, s4;
	[dreg:$0x0] =	wrdreg $0x0  }
0xa8: {  	s4 =	sshll.u32 s28, $0x1;
	[dreg:$0x2] =	wrdreg s2  }
0xa9: {  	[dreg:$0x3] =	wrdreg s4  }
0xaa: {  	[dreg:$0x4] =	wrdreg $0xC0  }
0xab: {  	_ =	task [dreg:s6], $0x5FFFF  }
0xac: {  	[dreg:$0x1] =	wrdreg $0xFFFFFFFF  }
0xad: {  	[dreg:$0x0] =	wrdreg $0x60  }
0xae: {  	[dreg:$0x2] =	wrdreg s24  }
0xaf: {  	[dreg:$0x3] =	wrdreg $0x9A000  }
0xb0: {  	[dreg:$0x4] =	wrdreg $0x137000  }
0xb1: {  	[dreg:$0x5] =	wrdreg $0xA  }
0xb2: {  	_ =	task.clear_ibuf [dreg:s6], $0x6FFFF;
	_ =	strace $0x90000046  }
0xb3: {  	s29 =	simm.s32 $0xA;
	_ =	strace $0x80000048  }
0xb4: {  	_ =	swait.ge [sflag:s29], $0x1  }
0xb5: {  	[sflag:s29] =	ssyncadd.s32 $0xFFFFFFFF  }
0xb6: {  	_ =	strace $0x90000048  }
0xb7: {  	_ =	sfence  }
0xb8: {  	s30 =	sld [smem:$0x0];
	_ =	sdelay $0x2  }
0xb9: {  	s31 =	sshll.u32 s1, $0xD;
	s1 =	sshrl.u32 s1, $0x2  }
0xba: {  	s3 =	sand.u32 $0x4000, s31;
	s1 =	sadd.s32 s1, s30  }
0xbb: {  	s0 =	sor.u32 s3, s0;
	s1 =	sshll.u32 s1, $0x11  }
0xbc: {  	s0 =	sor.u32 s1, s0  }
0xbd: {  	s0 =	sadd.s32 $0x8F2B, s0  }
0xbe: {  	[sflag:s0] =	ssyncadd.remote.s32 $0x1  }
0xbf: {  	_ =	sfence.sel $0xFFFF  }
0xc0: {  	[dreg:$0x0] =	wrdreg $0xFFFFFFFF;
	(pc) =	sbr.abs _section_cstart, $3  }
0xc1: {  	[dreg:$0x1] =	wrdreg $0xFFFFFFFF  }
0xc2: {  	_ =	task.clear_ibuf [dreg:s6], $0x2FFFF;
	_ =	strace $0x9FFFFFFF  }
0xc3: {  	(tm) =	ssettm $0x7FFFFFFF  }
tec
execute0_lowered:
.L_overlay_start_1:
0x0: {  	(tag) =	ssettag $0x1  }
0x1: {  	s6 =	rddreg [dreg:$0x0]  }
0x2: {  	s0 =	stileid.u32;
	s2 =	rddreg [dreg:$0x1]  }
0x3: {  	s1 =	srdreg.scid;
	s3 =	rddreg [dreg:$0x2]  }
0x4: {  	s4 =	simm.s32 $0x0;
	s16 =	simm.s32 $0x80;
	s7 =	smul.u32 $0x9C40, s0  }
0x5: {  	s17 =	simm.s32 $0x5A00;
	s18 =	simm.s32 $0x7A00;
	s5 =	smul.u32 $0x5A00, s0  }
0x6: {  	s19 =	simm.s32 $0x1;
	s9 =	sand.u32 $0x1, s1;
	s10 =	smul.u32 $0x9D00, s0  }
0x7: {  	s20 =	simm.s32 $0x0;
	s1 =	rddreg [dreg:$0x3];
	s8 =	smul.u32 $0x2D00, s9  }
0x8: {  	[smem:$0x7FF] =	sst s4;
	s31 =	sshll.u32 s0, $0x6;
	s11 =	smul.u32 $0x9D000, s9  }
0x9: {  	_ =	strace $0x80000047;
	s13 =	ssub.s32 $0x2, s9;
	p0 =	seq.s32 s9, $0x0  }
0xa: {  	s9 =	simm.s32 $0x2D;
	s12 =	sshrl.u32 s7, $0x3;
	s30 =	sshrl.u32 s13, $0x1  }
0xb: {  	s14 =	sadd.s32 s10, s2;
	s15 =	sadd.s32 s7, s3;
	s9 =	simm.s32 @!p0 $0x23  }
0xc: {  	s5 =	sadd.s32 s8, s5;
	s28 =	sadd.s32 s12, s6;
	s11 =	sadd.s32 s10, s11  }
0xd: {  	s13 =	ssub.s32 s13, s30;
	s15 =	sshrl.u32 s15, $0x3;
	s5 =	sshrl.u32 s5, $0x3  }
0xe: {  	s11 =	sshrl.u32 s11, $0x3;
	s7 =	sadd.s32 $0x1AC00, s28;
	s12 =	smax.u32 s13, $0x1  }
0xf: {  	s13 =	sshrl.u32 s14, $0x3;
	s14 =	simm.s32 $0x2;
	s29 =	sadd.s32 s5, s6  }
0x10: {  	s5 =	sadd.s32 $0x2E600, s6;
	s11 =	sadd.s32 s11, s6;
	s6 =	sor.u32 $0x1C02, s31  }
0x11: {  	s8 =	sadd.s32 $0xF800, s29;
	s10 =	sadd.s32 $0x4400, s29;
	s11 =	sadd.s32 $0x2FA00, s11  }
.LBB2_1:
0x12: {  	[spmem:s13], [sflag:s6] =	dma.local [hbm:s5], $0x13A0  }
0x13: {  	_ =	swait.ge [sflag:s14], $0x13A0  }
0x14: {  	[sflag:s14] =	ssyncset.done $0x0  }
0x15: {  	[sflag:s14] =	ssyncadd.s32 $0xFFFFEC60  }
0x16: {  	[spmem:s15], [sflag:s6] =	dma.local [hbm:s7], $0x1388  }
0x17: {  	_ =	swait.ge [sflag:s14], $0x1388  }
0x18: {  	[sflag:s14] =	ssyncset.done $0x0  }
0x19: {  	[sflag:s14] =	ssyncadd.s32 $0xFFFFEC78  }
0x1a: {  	[tilespmem:s4], [sflag:$0x2] =	stream.linear.gather [hbm4b:s8+s4], $0x2D00, $0x38;
	[tilespmem:$0x1D340] =	vst v63  }
0x1b: {  	_ =	swait.ge [sflag:s14], $0x2D00  }
0x1c: {  	[sflag:s14] =	ssyncset.done $0x0  }
0x1d: {  	s21 =	simm.s32 $0x2D00;
	[sflag:s14] =	ssyncadd.s32 $0xFFFFD300  }
0x1e: {  	[tilespmem:s21], [sflag:$0x2] =	stream.linear.gather [hbm4b:s10+s4], $0x2D00, $0x38;
	[tilespmem:$0x1D340] =	vst v63  }
0x1f: {  	_ =	swait.ge [sflag:s14], $0x2D00  }
0x20: {  	[sflag:s14] =	ssyncset.done $0x0  }
0x21: {  	[sflag:s14] =	ssyncadd.s32 $0xFFFFD300  }
0x22: {  	[bflag:$0x0] =	sbarrier.arrive $0xFFFF  }
0x23: {  	[tilespmem:s17], [sflag:$0x1] =	stream.indirect.gather [spmem:s3], $0x40, s4, s16, $0xb8;
	[tilespmem:$0x1D340] =	vst v63  }
0x24: {  	s22 =	simm.s32 $0x80  }
0x25: {  	[tilespmem:s18], [sflag:$0x1] =	stream.indirect.gather [spmem:s3], $0x40, s22, s16, $0xb8;
	[tilespmem:$0x1D340] =	vst v63  }
0x26: {  	_ =	swait.ge [sflag:s19], $0x2000  }
0x27: {  	[sflag:s19] =	ssyncset.done $0x0  }
0x28: {  	[sflag:s19] =	ssyncadd.s32 $0xFFFFE000  }
0x29: {  	[spmem:s2] =	stream.indirect.scatter.add.f32 [tilespmem:s17], [sflag:$0x2], $0x40, s21, s16, $0xb8;
	[tilespmem:$0x1D340] =	vst v63  }
0x2a: {  	_ =	swait.ge [sflag:s14], $0x2000  }
0x2b: {  	[sflag:s14] =	ssyncset.done $0x0  }
0x2c: {  	[sflag:s14] =	ssyncadd.s32 $0xFFFFE000  }
0x2d: {  	p0 =	sne.s32 s9, $0x1;
	_ =	swait.ge [sflag:s19], $0x2000  }
.Ltmp0:
0x2e: {  	[sflag:s19] =	ssyncset.done $0x0;
	(pc) =	sbr.rel @!p0 .LBB2_3-.Ltmp0, $4  }
0x2f: {  	s31 =	simm.s32 $0x2D80;
	[sflag:s19] =	ssyncadd.s32 $0xFFFFE000  }
0x30: {  	[spmem:s2] =	stream.indirect.scatter.add.f32 [tilespmem:s18], [sflag:$0x2], $0x40, s31, s16, $0xb8;
	[tilespmem:$0x1D340] =	vst v63  }
0x31: {  	_ =	swait.ge [sflag:s14], $0x2000  }
0x32: {  	s23 =	simm.s32 $0x0;
	s22 =	sadd.s32 $0xFFFFFFFF, s9;
	[sflag:s14] =	ssyncset.done $0x0  }
.LBB2_2:
0x33: {  	[sflag:s14] =	ssyncadd.s32 $0xFFFFE000;
	s23 =	sadd.s32 $0x100, s23;
	s21 =	sadd.s32 $0x100, s21  }
0x34: {  	[tilespmem:s17], [sflag:$0x1] =	stream.indirect.gather [spmem:s3], $0x40, s23, s16, $0xb8;
	[tilespmem:$0x1D340] =	vst v63  }
0x35: {  	p0 =	sne.s32 s22, $0x1;
	s22 =	sadd.s32 $0xFFFFFFFF, s22;
	s24 =	sadd.s32 $0x80, s23  }
0x36: {  	[tilespmem:s18], [sflag:$0x1] =	stream.indirect.gather [spmem:s3], $0x40, s24, s16, $0xb8;
	[tilespmem:$0x1D340] =	vst v63  }
0x37: {  	_ =	swait.ge [sflag:s19], $0x2000  }
0x38: {  	[sflag:s19] =	ssyncset.done $0x0  }
0x39: {  	[sflag:s19] =	ssyncadd.s32 $0xFFFFE000  }
0x3a: {  	[spmem:s2] =	stream.indirect.scatter.add.f32 [tilespmem:s17], [sflag:$0x2], $0x40, s21, s16, $0xb8;
	[tilespmem:$0x1D340] =	vst v63  }
0x3b: {  	_ =	swait.ge [sflag:s14], $0x2000  }
0x3c: {  	[sflag:s14] =	ssyncset.done $0x0  }
0x3d: {  	[sflag:s14] =	ssyncadd.s32 $0xFFFFE000  }
0x3e: {  	_ =	swait.ge [sflag:s19], $0x2000  }
.Ltmp1:
0x3f: {  	[sflag:s19] =	ssyncset.done $0x0;
	(pc) =	sbr.rel @p0 .LBB2_2-.Ltmp1, $4  }
0x40: {  	s24 =	sadd.s32 $0x80, s21;
	[sflag:s19] =	ssyncadd.s32 $0xFFFFE000  }
0x41: {  	[spmem:s2] =	stream.indirect.scatter.add.f32 [tilespmem:s18], [sflag:$0x2], $0x40, s24, s16, $0xb8;
	[tilespmem:$0x1D340] =	vst v63  }
0x42: {  	_ =	swait.ge [sflag:s14], $0x2000  }
0x43: {  	[sflag:s14] =	ssyncset.done $0x0  }
.LBB2_3:
0x44: {  	s20 =	sadd.s32 $0x1, s20  }
0x45: {  	[sflag:s14] =	ssyncadd.s32 $0xFFFFE000;
	p0 =	sne.s32 s20, s12  }
.Ltmp2:
0x46: {  	[bflag:$0x0] =	sbarrier.arrive $0xFFFF;
	(pc) =	sbr.rel @p0 .LBB2_1-.Ltmp2, $4  }
0x47: {  	[hbm:s11], [sflag:s6] =	dma.local [spmem:s13], $0x13A0  }
0x48: {  	_ =	swait.ge [sflag:s14], $0x13A0  }
0x49: {  	[sflag:s14] =	ssyncset.done $0x0  }
0x4a: {  	[sflag:s14] =	ssyncadd.s32 $0xFFFFEC60  }
0x4b: {  	_ =	sfence.sel $0x180000  }
0x4c: {  	[bflag:$0x0] =	sbarrier.arrive $0xFFFF  }
0x4d: {  	p0 =	sne.s32 s0, $0x0;
	_ =	strace $0x90000047  }
0x4e: {  	s0 =	sadd.s32 @!p0 $0x100000, s1;
	[bflag:$0x2] =	sbarrier.arrive $0xFFFF  }
0x4f: {  	[sflag:s0] =	ssyncadd.tile.s32 @!p0 $0x1;
	_ =	shalt  }
.Lfunc_end2:
_tile_overlayer_lowered:
.L_overlay_start_2:
0x50: {  	(tag) =	ssettag $0x2  }
0x51: {  	s0 =	rddreg [dreg:$0x0];
	s2 =	stileid.u32  }
0x52: {  	s1 =	rddreg [dreg:$0x1];
	p0 =	sne.s32 s2, $0x0  }
0x53: {  	s3 =	rddreg [dreg:$0x2];
	[bflag:$0x3] =	sbarrier.arrive $0xFFFF;
	s2 =	simm.s32 @!p0 $0x1C02  }
0x54: {  	[timem:s3], [sflag:s2] =	dma.local @!p0 [hbm:s0], s1  }
0x55: {  	s0 =	simm.s32 @!p0 $0x2  }
0x56: {  	_ =	swait.ge @!p0 [sflag:s0], s1  }
0x57: {  	s1 =	ssub.s32 @!p0 $0x0, s1;
	[sflag:s0] =	ssyncset.done @!p0 $0x0  }
0x58: {  	[sflag:s0] =	ssyncadd.s32 @!p0 s1  }
0x59: {  	[bflag:$0x3] =	sbarrier.arrive $0xFFFF  }
0x5a: {  	_ =	shalt  }

// kernel: kernel.16.cloned.1.call-start
scs
__scs_entry_jumppad:
0x0: {  	(pc) =	sbr.rel $0x88, $3  }
0x1: {  	(tag) =	ssettag $0x0;
	lr =	simm.s32 $0x1  }
0x2: {  	[smem:$0x3F85] =	sst lr;
	_ =	strace $0xD0000000  }
0x3: {  	_ = 	snop  }
0x4: {  	_ = 	snop  }
0x5: {  	_ = 	snop  }
0x6: {  	_ = 	snop  }
0x7: {  	_ = 	snop  }
__scs_overlays_trampoline_lowered:
0x8: {  	[smem:$0x3F94] =	sst s0  }
0x9: {  	[smem:$0x3F95] =	sst s1  }
0xa: {  	[smem:$0x3F96] =	sst s2  }
0xb: {  	[smem:$0x3F97] =	sst s3  }
0xc: {  	[smem:$0x3F98] =	sst s4  }
0xd: {  	[smem:$0x3F99] =	sst s5  }
0xe: {  	[smem:$0x3F9A] =	sst s6  }
0xf: {  	[smem:$0x3F9B] =	sst s7  }
0x10: {  	[smem:$0x3F9C] =	sst s8  }
0x11: {  	[smem:$0x3F9D] =	sst s9;
	s0 =	simm.s32 @!p0 $0x0  }
0x12: {  	s1 =	sld [smem:$0x3F83];
	s0 =	simm.s32 @p0 $0x1  }
0x13: {  	[smem:$0x3F9E] =	sst s0;
	s0 =	simm.s32 @!p1 $0x0  }
0x14: {  	s2 =	sld [smem:$0x3F82];
	s0 =	simm.s32 @p1 $0x1  }
0x15: {  	[smem:$0x3F9F] =	sst s0;
	s0 =	simm.s32 @!p2 $0x0  }
0x16: {  	s3 =	sld [smem:$0x3FDB];
	s0 =	simm.s32 @p2 $0x1  }
0x17: {  	s4 =	simm.s32 $0x1BF5;
	[smem:$0x3FA1] =	sst s0  }
0x18: {  	s0 =	sld [smem:$0x3F84];
	_ =	swait.ge [sflag:s4], $0x0  }
0x19: {  	s7 =	sld [smem:$0x3F85]  }
0x1a: {  	s8 =	sadd.s32 $0xFFFFE003, lr  }
0x1b: {  	s9 =	sadd.s32 $0xFFFFFEF7, lr;
	s5 =	simm.s32 $0xFFFFFFFF;
	p2 =	slt.u32 s8, $0xFFFFF086  }
0x1c: {  	p1 =	slt.u32 s9, $0xF7A;
	s5 =	simm.s32 @!p2 $0x0  }
0x1d: {  	s5 =	simm.s32 @p1 $0x1;
	p0 =	seq.s32 s7, s2  }
0x1e: {  	s7 =	smul.u32 @!p0 $0xF7A, s2;
	p2 =	seq.s32 @!p0 s5, $0x0  }
0x1f: {  	s9 =	smul.u32 $0xF7A, s1;
	s8 =	simm.s32 @!p0 $0x1BF5;
	p2 =	por !p2, p0  }
0x20: {  	[sflag:s8] =	ssyncset.s32 @!p0 $0xFFFFF086;
	s6 =	sadd.s32 @!p0 s3, s7;
	s7 =	simm.s32 @!p0 $0x108  }
0x21: {  	s3 =	sadd.s32 s3, s9;
	s6 =	sadd.s32 @!p0 $0x88, s6;
	s7 =	simm.s32 @p2 $0x1082  }
0x22: {  	[simem:s7], [sflag:s8] =	dma.local @!p0 [hbm:s6], $0xF7A  }
0x23: {  	s9 =	sor.u32 $0xD0000000, s2;
	s6 =	simm.s32 $0x108;
	_ =	swait.ge @!p0 [sflag:s8], $0x0  }
0x24: {  	s3 =	sadd.s32 $0x88, s3;
	s6 =	simm.s32 @!p1 $0x1082;
	[sflag:s4] =	ssyncset.s32 $0xFFFFF086  }
0x25: {  	[simem:s6], [sflag:s4] =	dma.local [hbm:s3], $0xF7A  }
0x26: {  	[smem:$0x3F85] =	sst s1;
	(tag) =	ssettag s2;
	_ =	strace s9  }
0x27: {  	s1 =	sld [smem:$0x3F95]  }
0x28: {  	s2 =	sld [smem:$0x3F96]  }
0x29: {  	s4 =	sld [smem:$0x3F98]  }
0x2a: {  	p0 =	seq.s32 s5, $0x0;
	s5 =	sld [smem:$0x3F99]  }
0x2b: {  	s6 =	sld [smem:$0x3F9A]  }
0x2c: {  	s7 =	sld [smem:$0x3F9B]  }
0x2d: {  	s3 =	simm.s32 $0x108;
	s8 =	sld [smem:$0x3F9C]  }
0x2e: {  	s3 =	simm.s32 @!p0 $0x1082;
	s9 =	sld [smem:$0x3F9D]  }
0x2f: {  	lr =	sadd.s32 s0, s3;
	s0 =	sld [smem:$0x3F94]  }
0x30: {  	s3 =	sld [smem:$0x3F97]  }
0x31: {  	[smem:$0x3FA0] =	sst s10  }
0x32: {  	s10 =	sld [smem:$0x3F9E];
	_ =	sdelay $0x3  }
0x33: {  	p0 =	seq.s32 s10, $0x1;
	s10 =	sld [smem:$0x3FA0];
	_ =	sdelay $0x3  }
0x34: {  	[smem:$0x3FA0] =	sst s10  }
0x35: {  	s10 =	sld [smem:$0x3F9F];
	_ =	sdelay $0x3  }
0x36: {  	p1 =	seq.s32 s10, $0x1;
	s10 =	sld [smem:$0x3FA0];
	_ =	sdelay $0x3  }
0x37: {  	[smem:$0x3FA0] =	sst s10  }
0x38: {  	s10 =	sld [smem:$0x3FA1]  }
0x39: {  	_ = 	snop;
	(pc) =	sbr.ind lr, $3  }
0x3a: {  	_ = 	snop  }
0x3b: {  	_ = 	snop  }
0x3c: {  	p2 =	seq.s32 s10, $0x1;
	s10 =	sld [smem:$0x3FA0]  }
0x3d: {  	_ =	shalt  }
0x3e: {  	_ =	shalt  }
0x3f: {  	_ =	shalt  }
0x40: {  	_ =	shalt  }
0x41: {  	_ =	shalt  }
0x42: {  	_ =	shalt  }
0x43: {  	_ =	shalt  }
0x44: {  	_ =	shalt  }
0x45: {  	_ =	shalt  }
0x46: {  	_ =	shalt  }
0x47: {  	_ =	shalt  }
0x48: {  	_ =	shalt  }
0x49: {  	_ =	shalt  }
0x4a: {  	_ =	shalt  }
0x4b: {  	_ =	shalt  }
0x4c: {  	_ =	shalt  }
0x4d: {  	_ =	shalt  }
0x4e: {  	_ =	shalt  }
0x4f: {  	_ =	shalt  }
0x50: {  	_ =	shalt  }
0x51: {  	_ =	shalt  }
0x52: {  	_ =	shalt  }
0x53: {  	_ =	shalt  }
0x54: {  	_ =	shalt  }
0x55: {  	_ =	shalt  }
0x56: {  	_ =	shalt  }
0x57: {  	_ =	shalt  }
0x58: {  	_ =	shalt  }
0x59: {  	_ =	shalt  }
0x5a: {  	_ =	shalt  }
0x5b: {  	_ =	shalt  }
0x5c: {  	_ =	shalt  }
0x5d: {  	_ =	shalt  }
0x5e: {  	_ =	shalt  }
0x5f: {  	_ =	shalt  }
0x60: {  	_ =	shalt  }
0x61: {  	_ =	shalt  }
0x62: {  	_ =	shalt  }
0x63: {  	_ =	shalt  }
0x64: {  	_ =	shalt  }
0x65: {  	_ =	shalt  }
0x66: {  	_ =	shalt  }
0x67: {  	_ =	shalt  }
0x68: {  	_ =	shalt  }
0x69: {  	_ =	shalt  }
0x6a: {  	_ =	shalt  }
0x6b: {  	_ =	shalt  }
0x6c: {  	_ =	shalt  }
0x6d: {  	_ =	shalt  }
0x6e: {  	_ =	shalt  }
0x6f: {  	_ =	shalt  }
0x70: {  	_ =	shalt  }
0x71: {  	_ =	shalt  }
0x72: {  	_ =	shalt  }
0x73: {  	_ =	shalt  }
0x74: {  	_ =	shalt  }
0x75: {  	_ =	shalt  }
0x76: {  	_ =	shalt  }
0x77: {  	_ =	shalt  }
0x78: {  	_ =	shalt  }
0x79: {  	_ =	shalt  }
0x7a: {  	_ =	shalt  }
0x7b: {  	_ =	shalt  }
0x7c: {  	_ =	shalt  }
0x7d: {  	_ =	shalt  }
0x7e: {  	_ =	shalt  }
0x7f: {  	_ =	shalt  }
0x80: {  	_ =	shalt  }
0x81: {  	_ =	shalt  }
0x82: {  	_ =	shalt  }
0x83: {  	_ =	shalt  }
0x84: {  	_ =	shalt  }
0x85: {  	_ =	shalt  }
0x86: {  	_ =	shalt  }
0x87: {  	_ =	shalt  }
.Lfunc_end0:
.L_simem_size_0:
called_computation.2_lowered:
.L_overlay_start_0:
0x88: {  	s2 =	sld [smem:$0x3FD9]  }
0x89: {  	s3 =	sld [smem:$0x3FFE];
	_ =	sdelay $0x1  }
0x8a: {  	s1 =	srdreg.scid  }
0x8b: {  	s0 =	sand.u32 $0x1, s1  }
0x8c: {  	s16 =	sshll.u32 s0, $0xA;
	s2 =	sadd.s32 s3, s2  }
0x8d: {  	s2 =	sadd.s32 s2, s16  }
0x8e: {  	[smem:$0x3FAC] =	sst s2  }
0x8f: {  	_ = 	snop  }
0x90: {  	(tm) =	ssettm $0x1  }
0x91: {  	s17 =	sld [smem:$0x3FFB];
	_ =	sdelay $0x3  }
0x92: {  	_ =	strace s17  }
0x93: {  	s2 =	sld [smem:$0x3FFC];
	_ =	sdelay $0x3  }
0x94: {  	_ =	strace s2  }
0x95: {  	s2 =	sld [smem:$0x3FFD];
	_ =	sdelay $0x3  }
0x96: {  	_ =	strace s2  }
0x97: {  	_ =	strace $0x8FFFFFFF  }
0x98: {  	s18 =	sld [smem:$0x3FDB];
	_ =	sdelay $0x1  }
0x99: {  	s19 =	simm.s32 $_scs_section_size  }
0x9a: {  	s4 =	simm.s32 $_size__tile_overlayer_lowered;
	s5 =	simm.s32 $_tile_overlayer_lowered  }
0x9b: {  	s22 =	simm.s32 $0x1BFF;
	s21 =	sshll.u32 s5, $0x1;
	s2 =	sadd.s32 s19, s18  }
0x9c: {  	s6 =	simm.s32 $0x0;
	s20 =	sshll.u32 s4, $0x1;
	s4 =	sadd.s32 s21, s2  }
0x9d: {  	[timem:s6], [sflag:s22] =	dma.local [hbm:s4], s20  }
0x9e: {  	_ =	swait.ge [sflag:s22], s20  }
0x9f: {  	s3 =	ssub.s32 $0x0, s20;
	[sflag:s22] =	ssyncset.done $0x0  }
0xa0: {  	[sflag:s22] =	ssyncadd.s32 s3;
	_ =	sdelay $0x1  }
0xa1: {  	s23 =	simm.s32 $0x1B8B  }
0xa2: {  	_ =	swait.ge [sflag:s23], $0x1  }
0xa3: {  	[sflag:s23] =	ssyncset.done $0x0  }
0xa4: {  	s25 =	simm.s32 $0x1B8E;
	s24 =	sld [smem:$0x3FFE];
	[sflag:s23] =	ssyncadd.s32 $0xFFFFFFFF  }
0xa5: {  	s26 =	simm.s32 $execute0_lowered;
	[smem:$0x3FD2] =	sst s25  }
0xa6: {  	s4 =	sshll.u32 s26, $0x1;
	_ =	strace $0x8000004C;
	[dreg:$0x1] =	wrdreg $0xFFFFFFFF  }
0xa7: {  	s28 =	simm.s32 $_size_execute0_lowered;
	s2 =	sadd.s32 s2, s4;
	[dreg:$0x0] =	wrdreg $0x0  }
0xa8: {  	s4 =	sshll.u32 s28, $0x1;
	[dreg:$0x2] =	wrdreg s2  }
0xa9: {  	[dreg:$0x3] =	wrdreg s4  }
0xaa: {  	[dreg:$0x4] =	wrdreg $0xC0  }
0xab: {  	_ =	task [dreg:s6], $0x5FFFF  }
0xac: {  	[dreg:$0x1] =	wrdreg $0xFFFFFFFF  }
0xad: {  	[dreg:$0x0] =	wrdreg $0x60  }
0xae: {  	[dreg:$0x2] =	wrdreg s24  }
0xaf: {  	[dreg:$0x3] =	wrdreg $0x9A000  }
0xb0: {  	[dreg:$0x4] =	wrdreg $0x137000  }
0xb1: {  	[dreg:$0x5] =	wrdreg $0x9  }
0xb2: {  	_ =	task.clear_ibuf [dreg:s6], $0x6FFFF;
	_ =	strace $0x9000004C  }
0xb3: {  	s29 =	simm.s32 $0x9;
	_ =	strace $0x8000004E  }
0xb4: {  	_ =	swait.ge [sflag:s29], $0x1  }
0xb5: {  	[sflag:s29] =	ssyncadd.s32 $0xFFFFFFFF  }
0xb6: {  	_ =	strace $0x9000004E  }
0xb7: {  	_ =	sfence  }
0xb8: {  	s30 =	sld [smem:$0x0];
	_ =	sdelay $0x2  }
0xb9: {  	s31 =	sshll.u32 s1, $0xD;
	s1 =	sshrl.u32 s1, $0x2  }
0xba: {  	s3 =	sand.u32 $0x4000, s31;
	s1 =	sadd.s32 s1, s30  }
0xbb: {  	s0 =	sor.u32 s3, s0;
	s1 =	sshll.u32 s1, $0x11  }
0xbc: {  	s0 =	sor.u32 s1, s0  }
0xbd: {  	s0 =	sadd.s32 $0x8F2B, s0  }
0xbe: {  	[sflag:s0] =	ssyncadd.remote.s32 $0x1  }
0xbf: {  	_ =	sfence.sel $0xFFFF  }
0xc0: {  	[dreg:$0x0] =	wrdreg $0xFFFFFFFF;
	(pc) =	sbr.abs _section_cstart, $3  }
0xc1: {  	[dreg:$0x1] =	wrdreg $0xFFFFFFFF  }
0xc2: {  	_ =	task.clear_ibuf [dreg:s6], $0x2FFFF;
	_ =	strace $0x9FFFFFFF  }
0xc3: {  	(tm) =	ssettm $0x7FFFFFFF  }
tec
execute0_lowered:
.L_overlay_start_1:
0x0: {  	(tag) =	ssettag $0x1  }
0x1: {  	s6 =	rddreg [dreg:$0x0]  }
0x2: {  	s0 =	stileid.u32;
	s2 =	rddreg [dreg:$0x1]  }
0x3: {  	s1 =	srdreg.scid;
	s3 =	rddreg [dreg:$0x2]  }
0x4: {  	s4 =	simm.s32 $0x0;
	s16 =	simm.s32 $0x80;
	s7 =	smul.u32 $0x9C40, s0  }
0x5: {  	s17 =	simm.s32 $0x5A00;
	s18 =	simm.s32 $0x7A00;
	s5 =	smul.u32 $0x5A00, s0  }
0x6: {  	s19 =	simm.s32 $0x1;
	s9 =	sand.u32 $0x1, s1;
	s10 =	smul.u32 $0x9D00, s0  }
0x7: {  	s20 =	simm.s32 $0x0;
	s1 =	rddreg [dreg:$0x3];
	s8 =	smul.u32 $0x2D00, s9  }
0x8: {  	[smem:$0x7FF] =	sst s4;
	s31 =	sshll.u32 s0, $0x6;
	s11 =	smul.u32 $0x9D000, s9  }
0x9: {  	_ =	strace $0x8000004D;
	s13 =	ssub.s32 $0x2, s9;
	p0 =	seq.s32 s9, $0x0  }
0xa: {  	s9 =	simm.s32 $0x2D;
	s12 =	sshrl.u32 s7, $0x3;
	s30 =	sshrl.u32 s13, $0x1  }
0xb: {  	s14 =	sadd.s32 s10, s2;
	s15 =	sadd.s32 s7, s3;
	s9 =	simm.s32 @!p0 $0x23  }
0xc: {  	s5 =	sadd.s32 s8, s5;
	s28 =	sadd.s32 s12, s6;
	s11 =	sadd.s32 s10, s11  }
0xd: {  	s13 =	ssub.s32 s13, s30;
	s15 =	sshrl.u32 s15, $0x3;
	s5 =	sshrl.u32 s5, $0x3  }
0xe: {  	s11 =	sshrl.u32 s11, $0x3;
	s7 =	sadd.s32 $0x1AC00, s28;
	s12 =	smax.u32 s13, $0x1  }
0xf: {  	s13 =	sshrl.u32 s14, $0x3;
	s14 =	simm.s32 $0x2;
	s29 =	sadd.s32 s5, s6  }
0x10: {  	s5 =	sadd.s32 $0x2E600, s6;
	s11 =	sadd.s32 s11, s6;
	s6 =	sor.u32 $0x1C02, s31  }
0x11: {  	s8 =	sadd.s32 $0xF800, s29;
	s10 =	sadd.s32 $0x4400, s29;
	s11 =	sadd.s32 $0x2FA00, s11  }
.LBB2_1:
0x12: {  	[spmem:s13], [sflag:s6] =	dma.local [hbm:s5], $0x13A0  }
0x13: {  	_ =	swait.ge [sflag:s14], $0x13A0  }
0x14: {  	[sflag:s14] =	ssyncset.done $0x0  }
0x15: {  	[sflag:s14] =	ssyncadd.s32 $0xFFFFEC60  }
0x16: {  	[spmem:s15], [sflag:s6] =	dma.local [hbm:s7], $0x1388  }
0x17: {  	_ =	swait.ge [sflag:s14], $0x1388  }
0x18: {  	[sflag:s14] =	ssyncset.done $0x0  }
0x19: {  	[sflag:s14] =	ssyncadd.s32 $0xFFFFEC78  }
0x1a: {  	[tilespmem:s4], [sflag:$0x2] =	stream.linear.gather [hbm4b:s8+s4], $0x2D00, $0x38;
	[tilespmem:$0x1D340] =	vst v63  }
0x1b: {  	_ =	swait.ge [sflag:s14], $0x2D00  }
0x1c: {  	[sflag:s14] =	ssyncset.done $0x0  }
0x1d: {  	s21 =	simm.s32 $0x2D00;
	[sflag:s14] =	ssyncadd.s32 $0xFFFFD300  }
0x1e: {  	[tilespmem:s21], [sflag:$0x2] =	stream.linear.gather [hbm4b:s10+s4], $0x2D00, $0x38;
	[tilespmem:$0x1D340] =	vst v63  }
0x1f: {  	_ =	swait.ge [sflag:s14], $0x2D00  }
0x20: {  	[sflag:s14] =	ssyncset.done $0x0  }
0x21: {  	[sflag:s14] =	ssyncadd.s32 $0xFFFFD300  }
0x22: {  	[bflag:$0x0] =	sbarrier.arrive $0xFFFF  }
0x23: {  	[tilespmem:s17], [sflag:$0x1] =	stream.indirect.gather [spmem:s3], $0x40, s4, s16, $0xb8;
	[tilespmem:$0x1D340] =	vst v63  }
0x24: {  	s22 =	simm.s32 $0x80  }
0x25: {  	[tilespmem:s18], [sflag:$0x1] =	stream.indirect.gather [spmem:s3], $0x40, s22, s16, $0xb8;
	[tilespmem:$0x1D340] =	vst v63  }
0x26: {  	_ =	swait.ge [sflag:s19], $0x2000  }
0x27: {  	[sflag:s19] =	ssyncset.done $0x0  }
0x28: {  	[sflag:s19] =	ssyncadd.s32 $0xFFFFE000  }
0x29: {  	[spmem:s2] =	stream.indirect.scatter.add.f32 [tilespmem:s17], [sflag:$0x2], $0x40, s21, s16, $0xb8;
	[tilespmem:$0x1D340] =	vst v63  }
0x2a: {  	_ =	swait.ge [sflag:s14], $0x2000  }
0x2b: {  	[sflag:s14] =	ssyncset.done $0x0  }
0x2c: {  	[sflag:s14] =	ssyncadd.s32 $0xFFFFE000  }
0x2d: {  	p0 =	sne.s32 s9, $0x1;
	_ =	swait.ge [sflag:s19], $0x2000  }
.Ltmp0:
0x2e: {  	[sflag:s19] =	ssyncset.done $0x0;
	(pc) =	sbr.rel @!p0 .LBB2_3-.Ltmp0, $4  }
0x2f: {  	s31 =	simm.s32 $0x2D80;
	[sflag:s19] =	ssyncadd.s32 $0xFFFFE000  }
0x30: {  	[spmem:s2] =	stream.indirect.scatter.add.f32 [tilespmem:s18], [sflag:$0x2], $0x40, s31, s16, $0xb8;
	[tilespmem:$0x1D340] =	vst v63  }
0x31: {  	_ =	swait.ge [sflag:s14], $0x2000  }
0x32: {  	s23 =	simm.s32 $0x0;
	s22 =	sadd.s32 $0xFFFFFFFF, s9;
	[sflag:s14] =	ssyncset.done $0x0  }
.LBB2_2:
0x33: {  	[sflag:s14] =	ssyncadd.s32 $0xFFFFE000;
	s23 =	sadd.s32 $0x100, s23;
	s21 =	sadd.s32 $0x100, s21  }
0x34: {  	[tilespmem:s17], [sflag:$0x1] =	stream.indirect.gather [spmem:s3], $0x40, s23, s16, $0xb8;
	[tilespmem:$0x1D340] =	vst v63  }
0x35: {  	p0 =	sne.s32 s22, $0x1;
	s22 =	sadd.s32 $0xFFFFFFFF, s22;
	s24 =	sadd.s32 $0x80, s23  }
0x36: {  	[tilespmem:s18], [sflag:$0x1] =	stream.indirect.gather [spmem:s3], $0x40, s24, s16, $0xb8;
	[tilespmem:$0x1D340] =	vst v63  }
0x37: {  	_ =	swait.ge [sflag:s19], $0x2000  }
0x38: {  	[sflag:s19] =	ssyncset.done $0x0  }
0x39: {  	[sflag:s19] =	ssyncadd.s32 $0xFFFFE000  }
0x3a: {  	[spmem:s2] =	stream.indirect.scatter.add.f32 [tilespmem:s17], [sflag:$0x2], $0x40, s21, s16, $0xb8;
	[tilespmem:$0x1D340] =	vst v63  }
0x3b: {  	_ =	swait.ge [sflag:s14], $0x2000  }
0x3c: {  	[sflag:s14] =	ssyncset.done $0x0  }
0x3d: {  	[sflag:s14] =	ssyncadd.s32 $0xFFFFE000  }
0x3e: {  	_ =	swait.ge [sflag:s19], $0x2000  }
.Ltmp1:
0x3f: {  	[sflag:s19] =	ssyncset.done $0x0;
	(pc) =	sbr.rel @p0 .LBB2_2-.Ltmp1, $4  }
0x40: {  	s24 =	sadd.s32 $0x80, s21;
	[sflag:s19] =	ssyncadd.s32 $0xFFFFE000  }
0x41: {  	[spmem:s2] =	stream.indirect.scatter.add.f32 [tilespmem:s18], [sflag:$0x2], $0x40, s24, s16, $0xb8;
	[tilespmem:$0x1D340] =	vst v63  }
0x42: {  	_ =	swait.ge [sflag:s14], $0x2000  }
0x43: {  	[sflag:s14] =	ssyncset.done $0x0  }
.LBB2_3:
0x44: {  	s20 =	sadd.s32 $0x1, s20  }
0x45: {  	[sflag:s14] =	ssyncadd.s32 $0xFFFFE000;
	p0 =	sne.s32 s20, s12  }
.Ltmp2:
0x46: {  	[bflag:$0x0] =	sbarrier.arrive $0xFFFF;
	(pc) =	sbr.rel @p0 .LBB2_1-.Ltmp2, $4  }
0x47: {  	[hbm:s11], [sflag:s6] =	dma.local [spmem:s13], $0x13A0  }
0x48: {  	_ =	swait.ge [sflag:s14], $0x13A0  }
0x49: {  	[sflag:s14] =	ssyncset.done $0x0  }
0x4a: {  	[sflag:s14] =	ssyncadd.s32 $0xFFFFEC60  }
0x4b: {  	_ =	sfence.sel $0x180000  }
0x4c: {  	[bflag:$0x0] =	sbarrier.arrive $0xFFFF  }
0x4d: {  	p0 =	sne.s32 s0, $0x0;
	_ =	strace $0x9000004D  }
0x4e: {  	s0 =	sadd.s32 @!p0 $0x100000, s1;
	[bflag:$0x2] =	sbarrier.arrive $0xFFFF  }
0x4f: {  	[sflag:s0] =	ssyncadd.tile.s32 @!p0 $0x1;
	_ =	shalt  }
.Lfunc_end2:
_tile_overlayer_lowered:
.L_overlay_start_2:
0x50: {  	(tag) =	ssettag $0x2  }
0x51: {  	s0 =	rddreg [dreg:$0x0];
	s2 =	stileid.u32  }
0x52: {  	s1 =	rddreg [dreg:$0x1];
	p0 =	sne.s32 s2, $0x0  }
0x53: {  	s3 =	rddreg [dreg:$0x2];
	[bflag:$0x3] =	sbarrier.arrive $0xFFFF;
	s2 =	simm.s32 @!p0 $0x1C02  }
0x54: {  	[timem:s3], [sflag:s2] =	dma.local @!p0 [hbm:s0], s1  }
0x55: {  	s0 =	simm.s32 @!p0 $0x2  }
0x56: {  	_ =	swait.ge @!p0 [sflag:s0], s1  }
0x57: {  	s1 =	ssub.s32 @!p0 $0x0, s1;
	[sflag:s0] =	ssyncset.done @!p0 $0x0  }
0x58: {  	[sflag:s0] =	ssyncadd.s32 @!p0 s1  }
0x59: {  	[bflag:$0x3] =	sbarrier.arrive $0xFFFF  }
0x5a: {  	_ =	shalt  }

// kernel: kernel.19.cloned.1.call-start
scs
__scs_entry_jumppad:
0x0: {  	(pc) =	sbr.rel $0x88, $3  }
0x1: {  	(tag) =	ssettag $0x0;
	lr =	simm.s32 $0x1  }
0x2: {  	[smem:$0x3F85] =	sst lr;
	_ =	strace $0xD0000000  }
0x3: {  	_ = 	snop  }
0x4: {  	_ = 	snop  }
0x5: {  	_ = 	snop  }
0x6: {  	_ = 	snop  }
0x7: {  	_ = 	snop  }
__scs_overlays_trampoline_lowered:
0x8: {  	[smem:$0x3F94] =	sst s0  }
0x9: {  	[smem:$0x3F95] =	sst s1  }
0xa: {  	[smem:$0x3F96] =	sst s2  }
0xb: {  	[smem:$0x3F97] =	sst s3  }
0xc: {  	[smem:$0x3F98] =	sst s4  }
0xd: {  	[smem:$0x3F99] =	sst s5  }
0xe: {  	[smem:$0x3F9A] =	sst s6  }
0xf: {  	[smem:$0x3F9B] =	sst s7  }
0x10: {  	[smem:$0x3F9C] =	sst s8  }
0x11: {  	[smem:$0x3F9D] =	sst s9;
	s0 =	simm.s32 @!p0 $0x0  }
0x12: {  	s1 =	sld [smem:$0x3F83];
	s0 =	simm.s32 @p0 $0x1  }
0x13: {  	[smem:$0x3F9E] =	sst s0;
	s0 =	simm.s32 @!p1 $0x0  }
0x14: {  	s2 =	sld [smem:$0x3F82];
	s0 =	simm.s32 @p1 $0x1  }
0x15: {  	[smem:$0x3F9F] =	sst s0;
	s0 =	simm.s32 @!p2 $0x0  }
0x16: {  	s3 =	sld [smem:$0x3FDB];
	s0 =	simm.s32 @p2 $0x1  }
0x17: {  	s4 =	simm.s32 $0x1BF5;
	[smem:$0x3FA1] =	sst s0  }
0x18: {  	s0 =	sld [smem:$0x3F84];
	_ =	swait.ge [sflag:s4], $0x0  }
0x19: {  	s7 =	sld [smem:$0x3F85]  }
0x1a: {  	s8 =	sadd.s32 $0xFFFFE003, lr  }
0x1b: {  	s9 =	sadd.s32 $0xFFFFFEF7, lr;
	s5 =	simm.s32 $0xFFFFFFFF;
	p2 =	slt.u32 s8, $0xFFFFF086  }
0x1c: {  	p1 =	slt.u32 s9, $0xF7A;
	s5 =	simm.s32 @!p2 $0x0  }
0x1d: {  	s5 =	simm.s32 @p1 $0x1;
	p0 =	seq.s32 s7, s2  }
0x1e: {  	s7 =	smul.u32 @!p0 $0xF7A, s2;
	p2 =	seq.s32 @!p0 s5, $0x0  }
0x1f: {  	s9 =	smul.u32 $0xF7A, s1;
	s8 =	simm.s32 @!p0 $0x1BF5;
	p2 =	por !p2, p0  }
0x20: {  	[sflag:s8] =	ssyncset.s32 @!p0 $0xFFFFF086;
	s6 =	sadd.s32 @!p0 s3, s7;
	s7 =	simm.s32 @!p0 $0x108  }
0x21: {  	s3 =	sadd.s32 s3, s9;
	s6 =	sadd.s32 @!p0 $0x88, s6;
	s7 =	simm.s32 @p2 $0x1082  }
0x22: {  	[simem:s7], [sflag:s8] =	dma.local @!p0 [hbm:s6], $0xF7A  }
0x23: {  	s9 =	sor.u32 $0xD0000000, s2;
	s6 =	simm.s32 $0x108;
	_ =	swait.ge @!p0 [sflag:s8], $0x0  }
0x24: {  	s3 =	sadd.s32 $0x88, s3;
	s6 =	simm.s32 @!p1 $0x1082;
	[sflag:s4] =	ssyncset.s32 $0xFFFFF086  }
0x25: {  	[simem:s6], [sflag:s4] =	dma.local [hbm:s3], $0xF7A  }
0x26: {  	[smem:$0x3F85] =	sst s1;
	(tag) =	ssettag s2;
	_ =	strace s9  }
0x27: {  	s1 =	sld [smem:$0x3F95]  }
0x28: {  	s2 =	sld [smem:$0x3F96]  }
0x29: {  	s4 =	sld [smem:$0x3F98]  }
0x2a: {  	p0 =	seq.s32 s5, $0x0;
	s5 =	sld [smem:$0x3F99]  }
0x2b: {  	s6 =	sld [smem:$0x3F9A]  }
0x2c: {  	s7 =	sld [smem:$0x3F9B]  }
0x2d: {  	s3 =	simm.s32 $0x108;
	s8 =	sld [smem:$0x3F9C]  }
0x2e: {  	s3 =	simm.s32 @!p0 $0x1082;
	s9 =	sld [smem:$0x3F9D]  }
0x2f: {  	lr =	sadd.s32 s0, s3;
	s0 =	sld [smem:$0x3F94]  }
0x30: {  	s3 =	sld [smem:$0x3F97]  }
0x31: {  	[smem:$0x3FA0] =	sst s10  }
0x32: {  	s10 =	sld [smem:$0x3F9E];
	_ =	sdelay $0x3  }
0x33: {  	p0 =	seq.s32 s10, $0x1;
	s10 =	sld [smem:$0x3FA0];
	_ =	sdelay $0x3  }
0x34: {  	[smem:$0x3FA0] =	sst s10  }
0x35: {  	s10 =	sld [smem:$0x3F9F];
	_ =	sdelay $0x3  }
0x36: {  	p1 =	seq.s32 s10, $0x1;
	s10 =	sld [smem:$0x3FA0];
	_ =	sdelay $0x3  }
0x37: {  	[smem:$0x3FA0] =	sst s10  }
0x38: {  	s10 =	sld [smem:$0x3FA1]  }
0x39: {  	_ = 	snop;
	(pc) =	sbr.ind lr, $3  }
0x3a: {  	_ = 	snop  }
0x3b: {  	_ = 	snop  }
0x3c: {  	p2 =	seq.s32 s10, $0x1;
	s10 =	sld [smem:$0x3FA0]  }
0x3d: {  	_ =	shalt  }
0x3e: {  	_ =	shalt  }
0x3f: {  	_ =	shalt  }
0x40: {  	_ =	shalt  }
0x41: {  	_ =	shalt  }
0x42: {  	_ =	shalt  }
0x43: {  	_ =	shalt  }
0x44: {  	_ =	shalt  }
0x45: {  	_ =	shalt  }
0x46: {  	_ =	shalt  }
0x47: {  	_ =	shalt  }
0x48: {  	_ =	shalt  }
0x49: {  	_ =	shalt  }
0x4a: {  	_ =	shalt  }
0x4b: {  	_ =	shalt  }
0x4c: {  	_ =	shalt  }
0x4d: {  	_ =	shalt  }
0x4e: {  	_ =	shalt  }
0x4f: {  	_ =	shalt  }
0x50: {  	_ =	shalt  }
0x51: {  	_ =	shalt  }
0x52: {  	_ =	shalt  }
0x53: {  	_ =	shalt  }
0x54: {  	_ =	shalt  }
0x55: {  	_ =	shalt  }
0x56: {  	_ =	shalt  }
0x57: {  	_ =	shalt  }
0x58: {  	_ =	shalt  }
0x59: {  	_ =	shalt  }
0x5a: {  	_ =	shalt  }
0x5b: {  	_ =	shalt  }
0x5c: {  	_ =	shalt  }
0x5d: {  	_ =	shalt  }
0x5e: {  	_ =	shalt  }
0x5f: {  	_ =	shalt  }
0x60: {  	_ =	shalt  }
0x61: {  	_ =	shalt  }
0x62: {  	_ =	shalt  }
0x63: {  	_ =	shalt  }
0x64: {  	_ =	shalt  }
0x65: {  	_ =	shalt  }
0x66: {  	_ =	shalt  }
0x67: {  	_ =	shalt  }
0x68: {  	_ =	shalt  }
0x69: {  	_ =	shalt  }
0x6a: {  	_ =	shalt  }
0x6b: {  	_ =	shalt  }
0x6c: {  	_ =	shalt  }
0x6d: {  	_ =	shalt  }
0x6e: {  	_ =	shalt  }
0x6f: {  	_ =	shalt  }
0x70: {  	_ =	shalt  }
0x71: {  	_ =	shalt  }
0x72: {  	_ =	shalt  }
0x73: {  	_ =	shalt  }
0x74: {  	_ =	shalt  }
0x75: {  	_ =	shalt  }
0x76: {  	_ =	shalt  }
0x77: {  	_ =	shalt  }
0x78: {  	_ =	shalt  }
0x79: {  	_ =	shalt  }
0x7a: {  	_ =	shalt  }
0x7b: {  	_ =	shalt  }
0x7c: {  	_ =	shalt  }
0x7d: {  	_ =	shalt  }
0x7e: {  	_ =	shalt  }
0x7f: {  	_ =	shalt  }
0x80: {  	_ =	shalt  }
0x81: {  	_ =	shalt  }
0x82: {  	_ =	shalt  }
0x83: {  	_ =	shalt  }
0x84: {  	_ =	shalt  }
0x85: {  	_ =	shalt  }
0x86: {  	_ =	shalt  }
0x87: {  	_ =	shalt  }
.Lfunc_end0:
.L_simem_size_0:
called_computation.3_lowered:
.L_overlay_start_0:
0x88: {  	s2 =	sld [smem:$0x3FD9]  }
0x89: {  	s3 =	sld [smem:$0x3FFE];
	_ =	sdelay $0x1  }
0x8a: {  	s1 =	srdreg.scid  }
0x8b: {  	s0 =	sand.u32 $0x1, s1  }
0x8c: {  	s16 =	sshll.u32 s0, $0xA;
	s2 =	sadd.s32 s3, s2  }
0x8d: {  	s2 =	sadd.s32 s2, s16  }
0x8e: {  	[smem:$0x3FAC] =	sst s2  }
0x8f: {  	_ = 	snop  }
0x90: {  	(tm) =	ssettm $0x1  }
0x91: {  	s17 =	sld [smem:$0x3FFB];
	_ =	sdelay $0x3  }
0x92: {  	_ =	strace s17  }
0x93: {  	s2 =	sld [smem:$0x3FFC];
	_ =	sdelay $0x3  }
0x94: {  	_ =	strace s2  }
0x95: {  	s2 =	sld [smem:$0x3FFD];
	_ =	sdelay $0x3  }
0x96: {  	_ =	strace s2  }
0x97: {  	_ =	strace $0x8FFFFFFF  }
0x98: {  	s18 =	sld [smem:$0x3FDB];
	_ =	sdelay $0x1  }
0x99: {  	s19 =	simm.s32 $_scs_section_size  }
0x9a: {  	s4 =	simm.s32 $_size__tile_overlayer_lowered;
	s5 =	simm.s32 $_tile_overlayer_lowered  }
0x9b: {  	s22 =	simm.s32 $0x1BFF;
	s21 =	sshll.u32 s5, $0x1;
	s2 =	sadd.s32 s19, s18  }
0x9c: {  	s6 =	simm.s32 $0x0;
	s20 =	sshll.u32 s4, $0x1;
	s4 =	sadd.s32 s21, s2  }
0x9d: {  	[timem:s6], [sflag:s22] =	dma.local [hbm:s4], s20  }
0x9e: {  	_ =	swait.ge [sflag:s22], s20  }
0x9f: {  	s3 =	ssub.s32 $0x0, s20;
	[sflag:s22] =	ssyncset.done $0x0  }
0xa0: {  	[sflag:s22] =	ssyncadd.s32 s3;
	_ =	sdelay $0x1  }
0xa1: {  	s23 =	simm.s32 $0x1B8B  }
0xa2: {  	_ =	swait.ge [sflag:s23], $0x1  }
0xa3: {  	[sflag:s23] =	ssyncset.done $0x0  }
0xa4: {  	s25 =	simm.s32 $0x1B8E;
	s24 =	sld [smem:$0x3FFE];
	[sflag:s23] =	ssyncadd.s32 $0xFFFFFFFF  }
0xa5: {  	s26 =	simm.s32 $execute0_lowered;
	[smem:$0x3FD2] =	sst s25  }
0xa6: {  	s4 =	sshll.u32 s26, $0x1;
	_ =	strace $0x8000004F;
	[dreg:$0x1] =	wrdreg $0xFFFFFFFF  }
0xa7: {  	s28 =	simm.s32 $_size_execute0_lowered;
	s2 =	sadd.s32 s2, s4;
	[dreg:$0x0] =	wrdreg $0x0  }
0xa8: {  	s4 =	sshll.u32 s28, $0x1;
	[dreg:$0x2] =	wrdreg s2  }
0xa9: {  	[dreg:$0x3] =	wrdreg s4  }
0xaa: {  	[dreg:$0x4] =	wrdreg $0xC0  }
0xab: {  	_ =	task [dreg:s6], $0x5FFFF  }
0xac: {  	[dreg:$0x1] =	wrdreg $0xFFFFFFFF  }
0xad: {  	[dreg:$0x0] =	wrdreg $0x60  }
0xae: {  	[dreg:$0x2] =	wrdreg s24  }
0xaf: {  	[dreg:$0x3] =	wrdreg $0x9A000  }
0xb0: {  	[dreg:$0x4] =	wrdreg $0x137000  }
0xb1: {  	[dreg:$0x5] =	wrdreg $0x9  }
0xb2: {  	_ =	task.clear_ibuf [dreg:s6], $0x6FFFF;
	_ =	strace $0x9000004F  }
0xb3: {  	s29 =	simm.s32 $0x9;
	_ =	strace $0x80000051  }
0xb4: {  	_ =	swait.ge [sflag:s29], $0x1  }
0xb5: {  	[sflag:s29] =	ssyncadd.s32 $0xFFFFFFFF  }
0xb6: {  	_ =	strace $0x90000051  }
0xb7: {  	_ =	sfence  }
0xb8: {  	s30 =	sld [smem:$0x0];
	_ =	sdelay $0x2  }
0xb9: {  	s31 =	sshll.u32 s1, $0xD;
	s1 =	sshrl.u32 s1, $0x2  }
0xba: {  	s3 =	sand.u32 $0x4000, s31;
	s1 =	sadd.s32 s1, s30  }
0xbb: {  	s0 =	sor.u32 s3, s0;
	s1 =	sshll.u32 s1, $0x11  }
0xbc: {  	s0 =	sor.u32 s1, s0  }
0xbd: {  	s0 =	sadd.s32 $0x8F2B, s0  }
0xbe: {  	[sflag:s0] =	ssyncadd.remote.s32 $0x1  }
0xbf: {  	_ =	sfence.sel $0xFFFF  }
0xc0: {  	[dreg:$0x0] =	wrdreg $0xFFFFFFFF;
	(pc) =	sbr.abs _section_cstart, $3  }
0xc1: {  	[dreg:$0x1] =	wrdreg $0xFFFFFFFF  }
0xc2: {  	_ =	task.clear_ibuf [dreg:s6], $0x2FFFF;
	_ =	strace $0x9FFFFFFF  }
0xc3: {  	(tm) =	ssettm $0x7FFFFFFF  }
tec
execute0_lowered:
.L_overlay_start_1:
0x0: {  	(tag) =	ssettag $0x1  }
0x1: {  	s6 =	rddreg [dreg:$0x0]  }
0x2: {  	s0 =	stileid.u32;
	s2 =	rddreg [dreg:$0x1]  }
0x3: {  	s1 =	srdreg.scid;
	s3 =	rddreg [dreg:$0x2]  }
0x4: {  	s4 =	simm.s32 $0x0;
	s16 =	simm.s32 $0x80;
	s7 =	smul.u32 $0x9C40, s0  }
0x5: {  	s17 =	simm.s32 $0x5A00;
	s18 =	simm.s32 $0x7A00;
	s5 =	smul.u32 $0x5A00, s0  }
0x6: {  	s19 =	simm.s32 $0x1;
	s9 =	sand.u32 $0x1, s1;
	s10 =	smul.u32 $0x9D00, s0  }
0x7: {  	s20 =	simm.s32 $0x0;
	s1 =	rddreg [dreg:$0x3];
	s8 =	smul.u32 $0x2D00, s9  }
0x8: {  	[smem:$0x7FF] =	sst s4;
	s31 =	sshll.u32 s0, $0x6;
	s11 =	smul.u32 $0x9D000, s9  }
0x9: {  	_ =	strace $0x80000050;
	s13 =	ssub.s32 $0x2, s9;
	p0 =	seq.s32 s9, $0x0  }
0xa: {  	s9 =	simm.s32 $0x2D;
	s12 =	sshrl.u32 s7, $0x3;
	s30 =	sshrl.u32 s13, $0x1  }
0xb: {  	s14 =	sadd.s32 s10, s2;
	s15 =	sadd.s32 s7, s3;
	s9 =	simm.s32 @!p0 $0x23  }
0xc: {  	s5 =	sadd.s32 s8, s5;
	s28 =	sadd.s32 s12, s6;
	s11 =	sadd.s32 s10, s11  }
0xd: {  	s13 =	ssub.s32 s13, s30;
	s15 =	sshrl.u32 s15, $0x3;
	s5 =	sshrl.u32 s5, $0x3  }
0xe: {  	s11 =	sshrl.u32 s11, $0x3;
	s7 =	sadd.s32 $0x1AC00, s28;
	s12 =	smax.u32 s13, $0x1  }
0xf: {  	s13 =	sshrl.u32 s14, $0x3;
	s14 =	simm.s32 $0x2;
	s29 =	sadd.s32 s5, s6  }
0x10: {  	s5 =	sadd.s32 $0x2E600, s6;
	s11 =	sadd.s32 s11, s6;
	s6 =	sor.u32 $0x1C02, s31  }
0x11: {  	s8 =	sadd.s32 $0xF800, s29;
	s10 =	sadd.s32 $0x4400, s29;
	s11 =	sadd.s32 $0x2FA00, s11  }
.LBB2_1:
0x12: {  	[spmem:s13], [sflag:s6] =	dma.local [hbm:s5], $0x13A0  }
0x13: {  	_ =	swait.ge [sflag:s14], $0x13A0  }
0x14: {  	[sflag:s14] =	ssyncset.done $0x0  }
0x15: {  	[sflag:s14] =	ssyncadd.s32 $0xFFFFEC60  }
0x16: {  	[spmem:s15], [sflag:s6] =	dma.local [hbm:s7], $0x1388  }
0x17: {  	_ =	swait.ge [sflag:s14], $0x1388  }
0x18: {  	[sflag:s14] =	ssyncset.done $0x0  }
0x19: {  	[sflag:s14] =	ssyncadd.s32 $0xFFFFEC78  }
0x1a: {  	[tilespmem:s4], [sflag:$0x2] =	stream.linear.gather [hbm4b:s8+s4], $0x2D00, $0x38;
	[tilespmem:$0x1D340] =	vst v63  }
0x1b: {  	_ =	swait.ge [sflag:s14], $0x2D00  }
0x1c: {  	[sflag:s14] =	ssyncset.done $0x0  }
0x1d: {  	s21 =	simm.s32 $0x2D00;
	[sflag:s14] =	ssyncadd.s32 $0xFFFFD300  }
0x1e: {  	[tilespmem:s21], [sflag:$0x2] =	stream.linear.gather [hbm4b:s10+s4], $0x2D00, $0x38;
	[tilespmem:$0x1D340] =	vst v63  }
0x1f: {  	_ =	swait.ge [sflag:s14], $0x2D00  }
0x20: {  	[sflag:s14] =	ssyncset.done $0x0  }
0x21: {  	[sflag:s14] =	ssyncadd.s32 $0xFFFFD300  }
0x22: {  	[bflag:$0x0] =	sbarrier.arrive $0xFFFF  }
0x23: {  	[tilespmem:s17], [sflag:$0x1] =	stream.indirect.gather [spmem:s3], $0x40, s4, s16, $0xb8;
	[tilespmem:$0x1D340] =	vst v63  }
0x24: {  	s22 =	simm.s32 $0x80  }
0x25: {  	[tilespmem:s18], [sflag:$0x1] =	stream.indirect.gather [spmem:s3], $0x40, s22, s16, $0xb8;
	[tilespmem:$0x1D340] =	vst v63  }
0x26: {  	_ =	swait.ge [sflag:s19], $0x2000  }
0x27: {  	[sflag:s19] =	ssyncset.done $0x0  }
0x28: {  	[sflag:s19] =	ssyncadd.s32 $0xFFFFE000  }
0x29: {  	[spmem:s2] =	stream.indirect.scatter.add.f32 [tilespmem:s17], [sflag:$0x2], $0x40, s21, s16, $0xb8;
	[tilespmem:$0x1D340] =	vst v63  }
0x2a: {  	_ =	swait.ge [sflag:s14], $0x2000  }
0x2b: {  	[sflag:s14] =	ssyncset.done $0x0  }
0x2c: {  	[sflag:s14] =	ssyncadd.s32 $0xFFFFE000  }
0x2d: {  	p0 =	sne.s32 s9, $0x1;
	_ =	swait.ge [sflag:s19], $0x2000  }
.Ltmp0:
0x2e: {  	[sflag:s19] =	ssyncset.done $0x0;
	(pc) =	sbr.rel @!p0 .LBB2_3-.Ltmp0, $4  }
0x2f: {  	s31 =	simm.s32 $0x2D80;
	[sflag:s19] =	ssyncadd.s32 $0xFFFFE000  }
0x30: {  	[spmem:s2] =	stream.indirect.scatter.add.f32 [tilespmem:s18], [sflag:$0x2], $0x40, s31, s16, $0xb8;
	[tilespmem:$0x1D340] =	vst v63  }
0x31: {  	_ =	swait.ge [sflag:s14], $0x2000  }
0x32: {  	s23 =	simm.s32 $0x0;
	s22 =	sadd.s32 $0xFFFFFFFF, s9;
	[sflag:s14] =	ssyncset.done $0x0  }
.LBB2_2:
0x33: {  	[sflag:s14] =	ssyncadd.s32 $0xFFFFE000;
	s23 =	sadd.s32 $0x100, s23;
	s21 =	sadd.s32 $0x100, s21  }
0x34: {  	[tilespmem:s17], [sflag:$0x1] =	stream.indirect.gather [spmem:s3], $0x40, s23, s16, $0xb8;
	[tilespmem:$0x1D340] =	vst v63  }
0x35: {  	p0 =	sne.s32 s22, $0x1;
	s22 =	sadd.s32 $0xFFFFFFFF, s22;
	s24 =	sadd.s32 $0x80, s23  }
0x36: {  	[tilespmem:s18], [sflag:$0x1] =	stream.indirect.gather [spmem:s3], $0x40, s24, s16, $0xb8;
	[tilespmem:$0x1D340] =	vst v63  }
0x37: {  	_ =	swait.ge [sflag:s19], $0x2000  }
0x38: {  	[sflag:s19] =	ssyncset.done $0x0  }
0x39: {  	[sflag:s19] =	ssyncadd.s32 $0xFFFFE000  }
0x3a: {  	[spmem:s2] =	stream.indirect.scatter.add.f32 [tilespmem:s17], [sflag:$0x2], $0x40, s21, s16, $0xb8;
	[tilespmem:$0x1D340] =	vst v63  }
0x3b: {  	_ =	swait.ge [sflag:s14], $0x2000  }
0x3c: {  	[sflag:s14] =	ssyncset.done $0x0  }
0x3d: {  	[sflag:s14] =	ssyncadd.s32 $0xFFFFE000  }
0x3e: {  	_ =	swait.ge [sflag:s19], $0x2000  }
.Ltmp1:
0x3f: {  	[sflag:s19] =	ssyncset.done $0x0;
	(pc) =	sbr.rel @p0 .LBB2_2-.Ltmp1, $4  }
0x40: {  	s24 =	sadd.s32 $0x80, s21;
	[sflag:s19] =	ssyncadd.s32 $0xFFFFE000  }
0x41: {  	[spmem:s2] =	stream.indirect.scatter.add.f32 [tilespmem:s18], [sflag:$0x2], $0x40, s24, s16, $0xb8;
	[tilespmem:$0x1D340] =	vst v63  }
0x42: {  	_ =	swait.ge [sflag:s14], $0x2000  }
0x43: {  	[sflag:s14] =	ssyncset.done $0x0  }
.LBB2_3:
0x44: {  	s20 =	sadd.s32 $0x1, s20  }
0x45: {  	[sflag:s14] =	ssyncadd.s32 $0xFFFFE000;
	p0 =	sne.s32 s20, s12  }
.Ltmp2:
0x46: {  	[bflag:$0x0] =	sbarrier.arrive $0xFFFF;
	(pc) =	sbr.rel @p0 .LBB2_1-.Ltmp2, $4  }
0x47: {  	[hbm:s11], [sflag:s6] =	dma.local [spmem:s13], $0x13A0  }
0x48: {  	_ =	swait.ge [sflag:s14], $0x13A0  }
0x49: {  	[sflag:s14] =	ssyncset.done $0x0  }
0x4a: {  	[sflag:s14] =	ssyncadd.s32 $0xFFFFEC60  }
0x4b: {  	_ =	sfence.sel $0x180000  }
0x4c: {  	[bflag:$0x0] =	sbarrier.arrive $0xFFFF  }
0x4d: {  	p0 =	sne.s32 s0, $0x0;
	_ =	strace $0x90000050  }
0x4e: {  	s0 =	sadd.s32 @!p0 $0x100000, s1;
	[bflag:$0x2] =	sbarrier.arrive $0xFFFF  }
0x4f: {  	[sflag:s0] =	ssyncadd.tile.s32 @!p0 $0x1;
	_ =	shalt  }
.Lfunc_end2:
_tile_overlayer_lowered:
.L_overlay_start_2:
0x50: {  	(tag) =	ssettag $0x2  }
0x51: {  	s0 =	rddreg [dreg:$0x0];
	s2 =	stileid.u32  }
0x52: {  	s1 =	rddreg [dreg:$0x1];
	p0 =	sne.s32 s2, $0x0  }
0x53: {  	s3 =	rddreg [dreg:$0x2];
	[bflag:$0x3] =	sbarrier.arrive $0xFFFF;
	s2 =	simm.s32 @!p0 $0x1C02  }
0x54: {  	[timem:s3], [sflag:s2] =	dma.local @!p0 [hbm:s0], s1  }
0x55: {  	s0 =	simm.s32 @!p0 $0x2  }
0x56: {  	_ =	swait.ge @!p0 [sflag:s0], s1  }
0x57: {  	s1 =	ssub.s32 @!p0 $0x0, s1;
	[sflag:s0] =	ssyncset.done @!p0 $0x0  }
0x58: {  	[sflag:s0] =	ssyncadd.s32 @!p0 s1  }
0x59: {  	[bflag:$0x3] =	sbarrier.arrive $0xFFFF  }
0x5a: {  	_ =	shalt  }

</sc_bundles>
